<compile_context>
chip_gen: v7x
topology: tpu7x:2x2x1
jax: 0.10.2.dev20260603
libtpu: 0.0.44.dev20260713+nightly
codegen_flags: <defaults>
</compile_context>

<pallas_src>
import functools

import jax
import jax.numpy as jnp
from jax import lax
from jax.experimental import pallas as pl
from jax.experimental.pallas import tpu as pltpu
from jax.experimental.pallas import tpu_sc as plsc

NC = 2
NS = 16
NW = NC * NS
CH = 128
NUM_GRAPHS = 64


@functools.lru_cache(maxsize=None)
def _make_segsum(n_rows_acc, n_feat, m_chunks, ch, n_stage, tc_tiling):
    rt = n_rows_acc // NS
    mg = m_chunks // n_stage
    assert n_rows_acc % NS == 0 and m_chunks % n_stage == 0 and mg % 2 == 0
    mesh = plsc.VectorSubcoreMesh(
        core_axis_name="c", subcore_axis_name="s",
        num_cores=NC, num_subcores=NS)

    @functools.partial(
        pl.kernel,
        out_type=jax.ShapeDtypeStruct((NC, n_rows_acc, n_feat), jnp.float32),
        mesh=mesh,
        compiler_params=pltpu.CompilerParams(use_tc_tiling_on_sc=tc_tiling),
        scratch_types=[
            pltpu.VMEM((mg, ch), jnp.int32),
            pltpu.VMEM((mg, ch), jnp.int32),
            pltpu.VMEM((ch, n_feat), jnp.float32),
            pltpu.VMEM((ch, n_feat), jnp.float32),
            pltpu.VMEM_SHARED((n_rows_acc, n_feat), jnp.float32),
            pltpu.SemaphoreType.DMA,
            pltpu.SemaphoreType.DMA,
        ],
    )
    def segsum(feat_hbm, src_hbm, dst_hbm, zeros_hbm, out_hbm,
               src_v, dst_v, bufa, bufb, acc, sema, semb):
        cid = lax.axis_index("c")
        sid = lax.axis_index("s")
        wid = sid * NC + cid

        pltpu.sync_copy(zeros_hbm.at[pl.ds(sid * rt, rt)],
                        acc.at[pl.ds(sid * rt, rt)])
        plsc.subcore_barrier()

        for g in range(n_stage):
            pltpu.sync_copy(src_hbm.at[wid, pl.ds(g * mg, mg)], src_v)
            pltpu.sync_copy(dst_hbm.at[wid, pl.ds(g * mg, mg)], dst_v)

            pltpu.async_copy(feat_hbm.at[src_v.at[0]], bufa, sema)

            def step(j2, carry):
                ja = 2 * j2
                jb = ja + 1
                jn = jnp.minimum(ja + 2, mg - 1)
                pltpu.make_async_copy(
                    feat_hbm.at[src_v.at[ja]], bufa, sema).wait()
                pltpu.async_copy(feat_hbm.at[src_v.at[jb]], bufb, semb)
                pltpu.sync_copy(bufa, acc.at[dst_v.at[ja]], add=True)
                pltpu.make_async_copy(
                    feat_hbm.at[src_v.at[jb]], bufb, semb).wait()
                pltpu.async_copy(feat_hbm.at[src_v.at[jn]], bufa, sema)
                pltpu.sync_copy(bufb, acc.at[dst_v.at[jb]], add=True)
                return carry
            lax.fori_loop(0, mg // 2, step, 0)
            pltpu.make_async_copy(feat_hbm.at[src_v.at[0]], bufa, sema).wait()

        plsc.subcore_barrier()
        pltpu.sync_copy(acc.at[pl.ds(sid * rt, rt)],
                        out_hbm.at[cid, pl.ds(sid * rt, rt)])

    return segsum


def _dense_block(xa, Wa, ba, Wb, bb, gamma, beta):
    h = jnp.dot(xa, Wa, preferred_element_type=jnp.float32) + ba
    h = jnp.maximum(h, 0.0)
    h = jnp.dot(h, Wb, preferred_element_type=jnp.float32) + bb
    mu = jnp.mean(h, axis=0, keepdims=True)
    var = jnp.mean((h - mu) * (h - mu), axis=0, keepdims=True)
    h = (h - mu) / jnp.sqrt(var + 1e-5) * gamma + beta
    return jnp.maximum(h, 0.0)


@functools.lru_cache(maxsize=None)
def _make_tc1(n, d, h_dim, n_rows_acc):
    def body(x_ref, agg_ref, Wa_ref, ba_ref, Wb_ref, bb_ref,
             g_ref, be_ref, out_ref):
        xa = x_ref[...] + agg_ref[0, :n, :] + agg_ref[1, :n, :]
        out_ref[...] = _dense_block(xa, Wa_ref[...], ba_ref[...], Wb_ref[...],
                                    bb_ref[...], g_ref[...], be_ref[...])

    return pl.pallas_call(
        body, out_shape=jax.ShapeDtypeStruct((n, h_dim), jnp.float32))


@functools.lru_cache(maxsize=None)
def _make_tc2(n, h_dim, n_rows_acc, n_graphs):
    def body(h_ref, agg_ref, batch_ref, Wa_ref, ba_ref, Wb_ref, bb_ref,
             g_ref, be_ref, out_ref):
        xa = h_ref[...] + agg_ref[0, :n, :] + agg_ref[1, :n, :]
        h2 = _dense_block(xa, Wa_ref[...], ba_ref[...], Wb_ref[...],
                          bb_ref[...], g_ref[...], be_ref[...])
        gids = lax.broadcasted_iota(jnp.int32, (n_graphs, n), 0)
        mask = (gids == batch_ref[...]).astype(jnp.float32)
        sums = jnp.dot(mask, h2, preferred_element_type=jnp.float32)
        counts = jnp.sum(mask, axis=1, keepdims=True)
        out_ref[...] = sums / jnp.maximum(counts, 1.0)

    return pl.pallas_call(
        body, out_shape=jax.ShapeDtypeStruct((n_graphs, h_dim), jnp.float32))


def kernel(x, edge_index, batch, W1a, b1a, W1b, b1b, gamma1, beta1,
           W2a, b2a, W2b, b2b, gamma2, beta2):
    n, d = x.shape
    h_dim = W1a.shape[1]
    e = edge_index.shape[1]

    ec = 128
    m_chunks = -(-e // (NW * ec))
    if m_chunks % 4:
        m_chunks += 4 - m_chunks % 4
    ep = NW * m_chunks * ec
    n_rows_acc = -(-n // (NS * CH)) * (NS * CH)
    pad = ep - e
    pad_src = lax.iota(jnp.int32, pad) % n
    pad_dst = n + lax.iota(jnp.int32, pad) % (n_rows_acc - n)
    src3 = jnp.concatenate([edge_index[0], pad_src]).reshape(NW, m_chunks, ec)
    dst3 = jnp.concatenate([edge_index[1], pad_dst]).reshape(NW, m_chunks, ec)

    segsum1 = _make_segsum(n_rows_acc, d, m_chunks, ec, 2, True)
    segsum2 = _make_segsum(n_rows_acc, h_dim, m_chunks, ec, 1, False)
    tc1 = _make_tc1(n, d, h_dim, n_rows_acc)
    tc2 = _make_tc2(n, h_dim, n_rows_acc, NUM_GRAPHS)

    agg1p = segsum1(x, src3, dst3, jnp.zeros((n_rows_acc, d), jnp.float32))
    hp = tc1(x, agg1p, W1a, b1a.reshape(1, -1), W1b, b1b.reshape(1, -1),
             gamma1.reshape(1, -1), beta1.reshape(1, -1))
    agg2p = segsum2(hp, src3, dst3,
                    jnp.zeros((n_rows_acc, h_dim), jnp.float32))
    out = tc2(hp, agg2p, batch.reshape(1, -1), W2a, b2a.reshape(1, -1),
              W2b, b2b.reshape(1, -1), gamma2.reshape(1, -1),
              beta2.reshape(1, -1))
    return out

# --- scband reference (transcript-rebuilt; emitter-appended) ---
"""Pipeline reference for scband-ginencoder-35519379538034 (READ-ONLY COPY).

The authoritative reference and input builder live on the scoring server;
editing this copy changes nothing except your own understanding.
"""

import jax, jax.numpy as jnp
import numpy as np

N, E, D, H, G = 10000, 320000, 128, 64, 64

def setup_inputs(seed: int = 0) -> dict:
    key = jax.random.key(seed)
    ks = jax.random.split(key, 16)
    x = jax.random.normal(ks[0], (N, D), dtype=jnp.float32)
    edge_index = jax.random.randint(ks[1], (2, E), 0, N, dtype=jnp.int32)
    batch = jnp.sort(jax.random.randint(ks[2], (N,), 0, G, dtype=jnp.int32))
    s = 0.1
    W1a = jax.random.normal(ks[3], (D, H), dtype=jnp.float32) * s
    b1a = jnp.zeros((H,), dtype=jnp.float32)
    W1b = jax.random.normal(ks[4], (H, H), dtype=jnp.float32) * s
    b1b = jnp.zeros((H,), dtype=jnp.float32)
    gamma1 = jnp.ones((H,), dtype=jnp.float32)
    beta1 = jnp.zeros((H,), dtype=jnp.float32)
    W2a = jax.random.normal(ks[5], (H, H), dtype=jnp.float32) * s
    b2a = jnp.zeros((H,), dtype=jnp.float32)
    W2b = jax.random.normal(ks[6], (H, H), dtype=jnp.float32) * s
    b2b = jnp.zeros((H,), dtype=jnp.float32)
    gamma2 = jnp.ones((H,), dtype=jnp.float32)
    beta2 = jnp.zeros((H,), dtype=jnp.float32)
    return {"x": x, "edge_index": edge_index, "batch": batch,
            "W1a": W1a, "b1a": b1a, "W1b": W1b, "b1b": b1b,
            "gamma1": gamma1, "beta1": beta1,
            "W2a": W2a, "b2a": b2a, "W2b": W2b, "b2b": b2b,
            "gamma2": gamma2, "beta2": beta2}


def reference(x, edge_index, batch, W1a, b1a, W1b, b1b, gamma1, beta1,
              W2a, b2a, W2b, b2b, gamma2, beta2):
    n = x.shape[0]
    src = edge_index[0]
    dst = edge_index[1]
    # GINConv 1: (1 + eps) * x + sum_{j in N(i)} x_j, eps = 0
    agg = jax.ops.segment_sum(x[src], dst, num_segments=n)
    h = x + agg
    h = jnp.maximum(h @ W1a + b1a, 0.0) @ W1b + b1b
    # BatchNorm (training-mode batch stats) + ReLU; dropout is identity in eval
    mu = jnp.mean(h, axis=0)
    var = jnp.var(h, axis=0)
    h = (h - mu) / jnp.sqrt(var + 1e-5) * gamma1 + beta1
    h = jnp.maximum(h, 0.0)
    # GINConv 2
    agg2 = jax.ops.segment_sum(h[src], dst, num_segments=n)
    h2 = h + agg2
    h2 = jnp.maximum(h2 @ W2a + b2a, 0.0) @ W2b + b2b
    mu2 = jnp.mean(h2, axis=0)
    var2 = jnp.var(h2, axis=0)
    h2 = (h2 - mu2) / jnp.sqrt(var2 + 1e-5) * gamma2 + beta2
    h2 = jnp.maximum(h2, 0.0)
    # global_mean_pool over graph ids
    sums = jax.ops.segment_sum(h2, batch, num_segments=G)
    counts = jax.ops.segment_sum(jnp.ones((n, 1), dtype=h2.dtype), batch, num_segments=G)
    return sums / jnp.clip(counts, 1.0, None)

if __name__ == "__main__":
    import jax
    _d = setup_inputs()
    print(jax.jit(kernel)(*tuple(_d.values())))

</pallas_src>

<mosaic_0001>
#map = affine_map<(d0, d1) -> (0, 0)>
#map1 = affine_map<(d0, d1) -> (0, 0, 0)>
module attributes {stable_mosaic.version = 14 : i64} {
  func.func @segsum(%arg0: i32, %arg1: i32, %arg2: memref<10000x64xf32, #tpu.memory_space<hbm>>, %arg3: memref<32x80x128xi32, #tpu.memory_space<hbm>>, %arg4: memref<32x80x128xi32, #tpu.memory_space<hbm>>, %arg5: memref<10240x64xf32, #tpu.memory_space<hbm>>, %arg6: memref<2x10240x64xf32, #tpu.memory_space<hbm>>, %arg7: memref<80x128xi32, #tpu.memory_space<vmem>>, %arg8: memref<80x128xi32, #tpu.memory_space<vmem>>, %arg9: memref<128x64xf32, #tpu.memory_space<vmem>>, %arg10: memref<128x64xf32, #tpu.memory_space<vmem>>, %arg11: memref<10240x64xf32, #tpu.memory_space<vmem_shared>>, %arg12: memref<!tpu.dma_semaphore, #tpu.memory_space<semaphore_mem>>, %arg13: memref<!tpu.dma_semaphore, #tpu.memory_space<semaphore_mem>>) attributes {dimension_semantics = [#tpu.dimension_semantics<core_parallel>, #tpu.dimension_semantics<subcore_parallel>], iteration_bounds = array<i64: 2, 16>, scalar_prefetch = 0 : i64, scratch_operands = 7 : i64, tpu.core_type = #tpu.core_type<sc_vector_subcore>, window_params = [{transform_indices = #map}, {transform_indices = #map1}, {transform_indices = #map1}, {transform_indices = #map}, {transform_indices = #map1}]} {
    %mul3A = arith.constant 2 : i32
    %mul3A_0 = arith.muli %arg1, %mul3A : i32
    %add3A = arith.addi %mul3A_0, %arg0 : i32
    %mul3A_1 = arith.constant 640 : i32
    %mul3A_2 = arith.muli %arg1, %mul3A_1 : i32
    %mul3A_3 = arith.constant 640 : i32
    %mul3A_4 = arith.muli %arg1, %mul3A_3 : i32
    "tpu.region"() ({
      %run_scoped3A = tpu.sem_alloc : memref<!tpu.dma_semaphore, #tpu.memory_space<semaphore_mem>>
      %dma_start3A_27 = arith.constant 0 : i32
      %dma_start3A_28 = tpu.memref_slice %arg11[%mul3A_4, %dma_start3A_27] : memref<10240x64xf32, #tpu.memory_space<vmem_shared>> -> memref<640x64xf32, #tpu.memory_space<vmem_shared>>
      %dma_start3A_29 = arith.constant 0 : i32
      %dma_start3A_30 = tpu.memref_slice %arg5[%mul3A_2, %dma_start3A_29] : memref<10240x64xf32, #tpu.memory_space<hbm>> -> memref<640x64xf32, #tpu.memory_space<hbm>>
      tpu.enqueue_dma source(%dma_start3A_30 : memref<640x64xf32, #tpu.memory_space<hbm>>) target(%dma_start3A_28 : memref<640x64xf32, #tpu.memory_space<vmem_shared>>) target_semaphore(%run_scoped3A : memref<!tpu.dma_semaphore, #tpu.memory_space<semaphore_mem>>)
      %dma_wait3A_31 = arith.constant 0 : i32
      %dma_wait3A_32 = tpu.memref_slice %arg11[%mul3A_4, %dma_wait3A_31] : memref<10240x64xf32, #tpu.memory_space<vmem_shared>> -> memref<640x64xf32, #tpu.memory_space<vmem_shared>>
      %dma_wait3A_33 = arith.constant 0 : i32
      %dma_wait3A_34 = tpu.memref_slice %arg5[%mul3A_2, %dma_wait3A_33] : memref<10240x64xf32, #tpu.memory_space<hbm>> -> memref<640x64xf32, #tpu.memory_space<hbm>>
      tpu.wait_dma2 semaphore(%run_scoped3A : memref<!tpu.dma_semaphore, #tpu.memory_space<semaphore_mem>>) src(%dma_wait3A_34 : memref<640x64xf32, #tpu.memory_space<hbm>>) dst(%dma_wait3A_32 : memref<640x64xf32, #tpu.memory_space<vmem_shared>>)
      tpu.yield
    }) : () -> ()
    %barrier3A = arith.constant 0 : index
    tpu.barrier barrier_id(%barrier3A)
    "tpu.region"() ({
      %run_scoped3A = tpu.sem_alloc : memref<!tpu.dma_semaphore, #tpu.memory_space<semaphore_mem>>
      %dma_start3A_27 = arith.constant 0 : i32
      %dma_start3A_28 = arith.constant 0 : i32
      %dma_start3A_29 = tpu.memref_slice %arg3[%add3A, %dma_start3A_27, %dma_start3A_28] : memref<32x80x128xi32, #tpu.memory_space<hbm>> -> memref<1x80x128xi32, #tpu.memory_space<hbm>>
      %dma_start3A_30 = tpu.memref_squeeze %dma_start3A_29 : memref<1x80x128xi32, #tpu.memory_space<hbm>> -> memref<80x128xi32, #tpu.memory_space<hbm>>
      %dma_start3A_31 = arith.constant 0 : i32
      %dma_start3A_32 = arith.constant 0 : i32
      %dma_start3A_33 = tpu.memref_slice %arg3[%add3A, %dma_start3A_31, %dma_start3A_32] : memref<32x80x128xi32, #tpu.memory_space<hbm>> -> memref<1x80x128xi32, #tpu.memory_space<hbm>>
      %dma_start3A_34 = tpu.memref_squeeze %dma_start3A_33 : memref<1x80x128xi32, #tpu.memory_space<hbm>> -> memref<80x128xi32, #tpu.memory_space<hbm>>
      tpu.enqueue_dma source(%dma_start3A_34 : memref<80x128xi32, #tpu.memory_space<hbm>>) target(%arg7 : memref<80x128xi32, #tpu.memory_space<vmem>>) target_semaphore(%run_scoped3A : memref<!tpu.dma_semaphore, #tpu.memory_space<semaphore_mem>>)
      %dma_wait3A_35 = arith.constant 0 : i32
      %dma_wait3A_36 = arith.constant 0 : i32
      %dma_wait3A_37 = tpu.memref_slice %arg3[%add3A, %dma_wait3A_35, %dma_wait3A_36] : memref<32x80x128xi32, #tpu.memory_space<hbm>> -> memref<1x80x128xi32, #tpu.memory_space<hbm>>
      %dma_wait3A_38 = tpu.memref_squeeze %dma_wait3A_37 : memref<1x80x128xi32, #tpu.memory_space<hbm>> -> memref<80x128xi32, #tpu.memory_space<hbm>>
      %dma_wait3A_39 = arith.constant 0 : i32
      %dma_wait3A_40 = arith.constant 0 : i32
      %dma_wait3A_41 = tpu.memref_slice %arg3[%add3A, %dma_wait3A_39, %dma_wait3A_40] : memref<32x80x128xi32, #tpu.memory_space<hbm>> -> memref<1x80x128xi32, #tpu.memory_space<hbm>>
      %dma_wait3A_42 = tpu.memref_squeeze %dma_wait3A_41 : memref<1x80x128xi32, #tpu.memory_space<hbm>> -> memref<80x128xi32, #tpu.memory_space<hbm>>
      tpu.wait_dma2 semaphore(%run_scoped3A : memref<!tpu.dma_semaphore, #tpu.memory_space<semaphore_mem>>) src(%dma_wait3A_42 : memref<80x128xi32, #tpu.memory_space<hbm>>) dst(%arg7 : memref<80x128xi32, #tpu.memory_space<vmem>>)
      tpu.yield
    }) : () -> ()
    "tpu.region"() ({
      %run_scoped3A = tpu.sem_alloc : memref<!tpu.dma_semaphore, #tpu.memory_space<semaphore_mem>>
      %dma_start3A_27 = arith.constant 0 : i32
      %dma_start3A_28 = arith.constant 0 : i32
      %dma_start3A_29 = tpu.memref_slice %arg4[%add3A, %dma_start3A_27, %dma_start3A_28] : memref<32x80x128xi32, #tpu.memory_space<hbm>> -> memref<1x80x128xi32, #tpu.memory_space<hbm>>
      %dma_start3A_30 = tpu.memref_squeeze %dma_start3A_29 : memref<1x80x128xi32, #tpu.memory_space<hbm>> -> memref<80x128xi32, #tpu.memory_space<hbm>>
      %dma_start3A_31 = arith.constant 0 : i32
      %dma_start3A_32 = arith.constant 0 : i32
      %dma_start3A_33 = tpu.memref_slice %arg4[%add3A, %dma_start3A_31, %dma_start3A_32] : memref<32x80x128xi32, #tpu.memory_space<hbm>> -> memref<1x80x128xi32, #tpu.memory_space<hbm>>
      %dma_start3A_34 = tpu.memref_squeeze %dma_start3A_33 : memref<1x80x128xi32, #tpu.memory_space<hbm>> -> memref<80x128xi32, #tpu.memory_space<hbm>>
      tpu.enqueue_dma source(%dma_start3A_34 : memref<80x128xi32, #tpu.memory_space<hbm>>) target(%arg8 : memref<80x128xi32, #tpu.memory_space<vmem>>) target_semaphore(%run_scoped3A : memref<!tpu.dma_semaphore, #tpu.memory_space<semaphore_mem>>)
      %dma_wait3A_35 = arith.constant 0 : i32
      %dma_wait3A_36 = arith.constant 0 : i32
      %dma_wait3A_37 = tpu.memref_slice %arg4[%add3A, %dma_wait3A_35, %dma_wait3A_36] : memref<32x80x128xi32, #tpu.memory_space<hbm>> -> memref<1x80x128xi32, #tpu.memory_space<hbm>>
      %dma_wait3A_38 = tpu.memref_squeeze %dma_wait3A_37 : memref<1x80x128xi32, #tpu.memory_space<hbm>> -> memref<80x128xi32, #tpu.memory_space<hbm>>
      %dma_wait3A_39 = arith.constant 0 : i32
      %dma_wait3A_40 = arith.constant 0 : i32
      %dma_wait3A_41 = tpu.memref_slice %arg4[%add3A, %dma_wait3A_39, %dma_wait3A_40] : memref<32x80x128xi32, #tpu.memory_space<hbm>> -> memref<1x80x128xi32, #tpu.memory_space<hbm>>
      %dma_wait3A_42 = tpu.memref_squeeze %dma_wait3A_41 : memref<1x80x128xi32, #tpu.memory_space<hbm>> -> memref<80x128xi32, #tpu.memory_space<hbm>>
      tpu.wait_dma2 semaphore(%run_scoped3A : memref<!tpu.dma_semaphore, #tpu.memory_space<semaphore_mem>>) src(%dma_wait3A_42 : memref<80x128xi32, #tpu.memory_space<hbm>>) dst(%arg8 : memref<80x128xi32, #tpu.memory_space<vmem>>)
      tpu.yield
    }) : () -> ()
    %dma_start3A = arith.constant 0 : i32
    %dma_start3A_5 = arith.constant 0 : i32
    %dma_start3A_6 = tpu.memref_slice %arg7[%dma_start3A, %dma_start3A_5] : memref<80x128xi32, #tpu.memory_space<vmem>> -> memref<1x128xi32, #tpu.memory_space<vmem>>
    %dma_start3A_7 = tpu.memref_squeeze %dma_start3A_6 : memref<1x128xi32, #tpu.memory_space<vmem>> -> memref<128xi32, #tpu.memory_space<vmem>>
    %dma_start3A_8 = arith.constant 0 : i32
    %dma_start3A_9 = arith.constant 0 : i32
    %dma_start3A_10 = tpu.memref_slice %arg2[%dma_start3A_8, %dma_start3A_9] : memref<10000x64xf32, #tpu.memory_space<hbm>> -> memref<10000x64xf32, #tpu.memory_space<hbm>>
    tpu.enqueue_indirect_dma source(%dma_start3A_10 : memref<10000x64xf32, #tpu.memory_space<hbm>>) target(%arg9 : memref<128x64xf32, #tpu.memory_space<vmem>>) offsets(%dma_start3A_7 : memref<128xi32, #tpu.memory_space<vmem>>) semaphore(%arg12 : memref<!tpu.dma_semaphore, #tpu.memory_space<semaphore_mem>>)
    %scan3A = arith.constant 0 : i32
    %scan3A_11 = arith.constant 0 : i32
    %scan3A_12 = arith.constant 40 : i32
    %scan3A_13 = arith.addi %scan3A_11, %scan3A_12 : i32
    %scan3A_14 = arith.constant 1 : i32
    scf.for %scan3A_27 = %scan3A_11 to %scan3A_13 step %scan3A_14  : i32 {
      %mul3A_28 = arith.constant 2 : i32
      %mul3A_29 = arith.muli %mul3A_28, %scan3A_27 : i32
      %add3A_30 = arith.constant 1 : i32
      %add3A_31 = arith.addi %mul3A_29, %add3A_30 : i32
      %add3A_32 = arith.constant 2 : i32
      %add3A_33 = arith.addi %mul3A_29, %add3A_32 : i32
      %min3A = arith.constant 79 : i32
      %min3A_34 = arith.minsi %add3A_33, %min3A : i32
      %dma_wait3A_35 = arith.constant 0 : i32
      %dma_wait3A_36 = tpu.memref_slice %arg7[%mul3A_29, %dma_wait3A_35] : memref<80x128xi32, #tpu.memory_space<vmem>> -> memref<1x128xi32, #tpu.memory_space<vmem>>
      %dma_wait3A_37 = tpu.memref_squeeze %dma_wait3A_36 : memref<1x128xi32, #tpu.memory_space<vmem>> -> memref<128xi32, #tpu.memory_space<vmem>>
      %dma_wait3A_38 = arith.constant 0 : i32
      %dma_wait3A_39 = arith.constant 0 : i32
      %dma_wait3A_40 = tpu.memref_slice %arg2[%dma_wait3A_38, %dma_wait3A_39] : memref<10000x64xf32, #tpu.memory_space<hbm>> -> memref<10000x64xf32, #tpu.memory_space<hbm>>
      tpu.wait_indirect_dma semaphore(%arg12 : memref<!tpu.dma_semaphore, #tpu.memory_space<semaphore_mem>>) src(%dma_wait3A_40 : memref<10000x64xf32, #tpu.memory_space<hbm>>) dst(%arg9 : memref<128x64xf32, #tpu.memory_space<vmem>>)
      %dma_start3A_41 = arith.constant 0 : i32
      %dma_start3A_42 = tpu.memref_slice %arg7[%add3A_31, %dma_start3A_41] : memref<80x128xi32, #tpu.memory_space<vmem>> -> memref<1x128xi32, #tpu.memory_space<vmem>>
      %dma_start3A_43 = tpu.memref_squeeze %dma_start3A_42 : memref<1x128xi32, #tpu.memory_space<vmem>> -> memref<128xi32, #tpu.memory_space<vmem>>
      %dma_start3A_44 = arith.constant 0 : i32
      %dma_start3A_45 = arith.constant 0 : i32
      %dma_start3A_46 = tpu.memref_slice %arg2[%dma_start3A_44, %dma_start3A_45] : memref<10000x64xf32, #tpu.memory_space<hbm>> -> memref<10000x64xf32, #tpu.memory_space<hbm>>
      tpu.enqueue_indirect_dma source(%dma_start3A_46 : memref<10000x64xf32, #tpu.memory_space<hbm>>) target(%arg10 : memref<128x64xf32, #tpu.memory_space<vmem>>) offsets(%dma_start3A_43 : memref<128xi32, #tpu.memory_space<vmem>>) semaphore(%arg13 : memref<!tpu.dma_semaphore, #tpu.memory_space<semaphore_mem>>)
      "tpu.region"() ({
        %run_scoped3A = tpu.sem_alloc : memref<!tpu.dma_semaphore, #tpu.memory_space<semaphore_mem>>
        %dma_start3A_59 = arith.constant 0 : i32
        %dma_start3A_60 = tpu.memref_slice %arg8[%mul3A_29, %dma_start3A_59] : memref<80x128xi32, #tpu.memory_space<vmem>> -> memref<1x128xi32, #tpu.memory_space<vmem>>
        %dma_start3A_61 = tpu.memref_squeeze %dma_start3A_60 : memref<1x128xi32, #tpu.memory_space<vmem>> -> memref<128xi32, #tpu.memory_space<vmem>>
        %dma_start3A_62 = arith.constant 0 : i32
        %dma_start3A_63 = arith.constant 0 : i32
        %dma_start3A_64 = tpu.memref_slice %arg11[%dma_start3A_62, %dma_start3A_63] : memref<10240x64xf32, #tpu.memory_space<vmem_shared>> -> memref<10240x64xf32, #tpu.memory_space<vmem_shared>>
        tpu.enqueue_indirect_dma source(%arg9 : memref<128x64xf32, #tpu.memory_space<vmem>>) target(%dma_start3A_64 : memref<10240x64xf32, #tpu.memory_space<vmem_shared>>) offsets(%dma_start3A_61 : memref<128xi32, #tpu.memory_space<vmem>>) semaphore(%run_scoped3A : memref<!tpu.dma_semaphore, #tpu.memory_space<semaphore_mem>>) {add = true}
        %dma_wait3A_65 = arith.constant 0 : i32
        %dma_wait3A_66 = tpu.memref_slice %arg8[%mul3A_29, %dma_wait3A_65] : memref<80x128xi32, #tpu.memory_space<vmem>> -> memref<1x128xi32, #tpu.memory_space<vmem>>
        %dma_wait3A_67 = tpu.memref_squeeze %dma_wait3A_66 : memref<1x128xi32, #tpu.memory_space<vmem>> -> memref<128xi32, #tpu.memory_space<vmem>>
        %dma_wait3A_68 = arith.constant 0 : i32
        %dma_wait3A_69 = arith.constant 0 : i32
        %dma_wait3A_70 = tpu.memref_slice %arg11[%dma_wait3A_68, %dma_wait3A_69] : memref<10240x64xf32, #tpu.memory_space<vmem_shared>> -> memref<10240x64xf32, #tpu.memory_space<vmem_shared>>
        tpu.wait_indirect_dma semaphore(%run_scoped3A : memref<!tpu.dma_semaphore, #tpu.memory_space<semaphore_mem>>) src(%arg9 : memref<128x64xf32, #tpu.memory_space<vmem>>) dst(%dma_wait3A_70 : memref<10240x64xf32, #tpu.memory_space<vmem_shared>>)
        tpu.yield
      }) : () -> ()
      %dma_wait3A_47 = arith.constant 0 : i32
      %dma_wait3A_48 = tpu.memref_slice %arg7[%add3A_31, %dma_wait3A_47] : memref<80x128xi32, #tpu.memory_space<vmem>> -> memref<1x128xi32, #tpu.memory_space<vmem>>
      %dma_wait3A_49 = tpu.memref_squeeze %dma_wait3A_48 : memref<1x128xi32, #tpu.memory_space<vmem>> -> memref<128xi32, #tpu.memory_space<vmem>>
      %dma_wait3A_50 = arith.constant 0 : i32
      %dma_wait3A_51 = arith.constant 0 : i32
      %dma_wait3A_52 = tpu.memref_slice %arg2[%dma_wait3A_50, %dma_wait3A_51] : memref<10000x64xf32, #tpu.memory_space<hbm>> -> memref<10000x64xf32, #tpu.memory_space<hbm>>
      tpu.wait_indirect_dma semaphore(%arg13 : memref<!tpu.dma_semaphore, #tpu.memory_space<semaphore_mem>>) src(%dma_wait3A_52 : memref<10000x64xf32, #tpu.memory_space<hbm>>) dst(%arg10 : memref<128x64xf32, #tpu.memory_space<vmem>>)
      %dma_start3A_53 = arith.constant 0 : i32
      %dma_start3A_54 = tpu.memref_slice %arg7[%min3A_34, %dma_start3A_53] : memref<80x128xi32, #tpu.memory_space<vmem>> -> memref<1x128xi32, #tpu.memory_space<vmem>>
      %dma_start3A_55 = tpu.memref_squeeze %dma_start3A_54 : memref<1x128xi32, #tpu.memory_space<vmem>> -> memref<128xi32, #tpu.memory_space<vmem>>
      %dma_start3A_56 = arith.constant 0 : i32
      %dma_start3A_57 = arith.constant 0 : i32
      %dma_start3A_58 = tpu.memref_slice %arg2[%dma_start3A_56, %dma_start3A_57] : memref<10000x64xf32, #tpu.memory_space<hbm>> -> memref<10000x64xf32, #tpu.memory_space<hbm>>
      tpu.enqueue_indirect_dma source(%dma_start3A_58 : memref<10000x64xf32, #tpu.memory_space<hbm>>) target(%arg9 : memref<128x64xf32, #tpu.memory_space<vmem>>) offsets(%dma_start3A_55 : memref<128xi32, #tpu.memory_space<vmem>>) semaphore(%arg12 : memref<!tpu.dma_semaphore, #tpu.memory_space<semaphore_mem>>)
      "tpu.region"() ({
        %run_scoped3A = tpu.sem_alloc : memref<!tpu.dma_semaphore, #tpu.memory_space<semaphore_mem>>
        %dma_start3A_59 = arith.constant 0 : i32
        %dma_start3A_60 = tpu.memref_slice %arg8[%add3A_31, %dma_start3A_59] : memref<80x128xi32, #tpu.memory_space<vmem>> -> memref<1x128xi32, #tpu.memory_space<vmem>>
        %dma_start3A_61 = tpu.memref_squeeze %dma_start3A_60 : memref<1x128xi32, #tpu.memory_space<vmem>> -> memref<128xi32, #tpu.memory_space<vmem>>
        %dma_start3A_62 = arith.constant 0 : i32
        %dma_start3A_63 = arith.constant 0 : i32
        %dma_start3A_64 = tpu.memref_slice %arg11[%dma_start3A_62, %dma_start3A_63] : memref<10240x64xf32, #tpu.memory_space<vmem_shared>> -> memref<10240x64xf32, #tpu.memory_space<vmem_shared>>
        tpu.enqueue_indirect_dma source(%arg10 : memref<128x64xf32, #tpu.memory_space<vmem>>) target(%dma_start3A_64 : memref<10240x64xf32, #tpu.memory_space<vmem_shared>>) offsets(%dma_start3A_61 : memref<128xi32, #tpu.memory_space<vmem>>) semaphore(%run_scoped3A : memref<!tpu.dma_semaphore, #tpu.memory_space<semaphore_mem>>) {add = true}
        %dma_wait3A_65 = arith.constant 0 : i32
        %dma_wait3A_66 = tpu.memref_slice %arg8[%add3A_31, %dma_wait3A_65] : memref<80x128xi32, #tpu.memory_space<vmem>> -> memref<1x128xi32, #tpu.memory_space<vmem>>
        %dma_wait3A_67 = tpu.memref_squeeze %dma_wait3A_66 : memref<1x128xi32, #tpu.memory_space<vmem>> -> memref<128xi32, #tpu.memory_space<vmem>>
        %dma_wait3A_68 = arith.constant 0 : i32
        %dma_wait3A_69 = arith.constant 0 : i32
        %dma_wait3A_70 = tpu.memref_slice %arg11[%dma_wait3A_68, %dma_wait3A_69] : memref<10240x64xf32, #tpu.memory_space<vmem_shared>> -> memref<10240x64xf32, #tpu.memory_space<vmem_shared>>
        tpu.wait_indirect_dma semaphore(%run_scoped3A : memref<!tpu.dma_semaphore, #tpu.memory_space<semaphore_mem>>) src(%arg10 : memref<128x64xf32, #tpu.memory_space<vmem>>) dst(%dma_wait3A_70 : memref<10240x64xf32, #tpu.memory_space<vmem_shared>>)
        tpu.yield
      }) : () -> ()
    }
    %scan3A_15 = arith.constant 40 : i32
    %dma_wait3A = arith.constant 0 : i32
    %dma_wait3A_16 = arith.constant 0 : i32
    %dma_wait3A_17 = tpu.memref_slice %arg7[%dma_wait3A, %dma_wait3A_16] : memref<80x128xi32, #tpu.memory_space<vmem>> -> memref<1x128xi32, #tpu.memory_space<vmem>>
    %dma_wait3A_18 = tpu.memref_squeeze %dma_wait3A_17 : memref<1x128xi32, #tpu.memory_space<vmem>> -> memref<128xi32, #tpu.memory_space<vmem>>
    %dma_wait3A_19 = arith.constant 0 : i32
    %dma_wait3A_20 = arith.constant 0 : i32
    %dma_wait3A_21 = tpu.memref_slice %arg2[%dma_wait3A_19, %dma_wait3A_20] : memref<10000x64xf32, #tpu.memory_space<hbm>> -> memref<10000x64xf32, #tpu.memory_space<hbm>>
    tpu.wait_indirect_dma semaphore(%arg12 : memref<!tpu.dma_semaphore, #tpu.memory_space<semaphore_mem>>) src(%dma_wait3A_21 : memref<10000x64xf32, #tpu.memory_space<hbm>>) dst(%arg9 : memref<128x64xf32, #tpu.memory_space<vmem>>)
    %barrier3A_22 = arith.constant 0 : index
    tpu.barrier barrier_id(%barrier3A_22)
    %mul3A_23 = arith.constant 640 : i32
    %mul3A_24 = arith.muli %arg1, %mul3A_23 : i32
    %mul3A_25 = arith.constant 640 : i32
    %mul3A_26 = arith.muli %arg1, %mul3A_25 : i32
    "tpu.region"() ({
      %run_scoped3A = tpu.sem_alloc : memref<!tpu.dma_semaphore, #tpu.memory_space<semaphore_mem>>
      %dma_start3A_27 = arith.constant 0 : i32
      %dma_start3A_28 = tpu.memref_slice %arg6[%arg0, %mul3A_26, %dma_start3A_27] : memref<2x10240x64xf32, #tpu.memory_space<hbm>> -> memref<1x640x64xf32, #tpu.memory_space<hbm>>
      %dma_start3A_29 = tpu.memref_squeeze %dma_start3A_28 : memref<1x640x64xf32, #tpu.memory_space<hbm>> -> memref<640x64xf32, #tpu.memory_space<hbm>>
      %dma_start3A_30 = arith.constant 0 : i32
      %dma_start3A_31 = tpu.memref_slice %arg11[%mul3A_24, %dma_start3A_30] : memref<10240x64xf32, #tpu.memory_space<vmem_shared>> -> memref<640x64xf32, #tpu.memory_space<vmem_shared>>
      tpu.enqueue_dma source(%dma_start3A_31 : memref<640x64xf32, #tpu.memory_space<vmem_shared>>) target(%dma_start3A_29 : memref<640x64xf32, #tpu.memory_space<hbm>>) target_semaphore(%run_scoped3A : memref<!tpu.dma_semaphore, #tpu.memory_space<semaphore_mem>>)
      %dma_wait3A_32 = arith.constant 0 : i32
      %dma_wait3A_33 = tpu.memref_slice %arg6[%arg0, %mul3A_26, %dma_wait3A_32] : memref<2x10240x64xf32, #tpu.memory_space<hbm>> -> memref<1x640x64xf32, #tpu.memory_space<hbm>>
      %dma_wait3A_34 = tpu.memref_squeeze %dma_wait3A_33 : memref<1x640x64xf32, #tpu.memory_space<hbm>> -> memref<640x64xf32, #tpu.memory_space<hbm>>
      %dma_wait3A_35 = arith.constant 0 : i32
      %dma_wait3A_36 = tpu.memref_slice %arg11[%mul3A_24, %dma_wait3A_35] : memref<10240x64xf32, #tpu.memory_space<vmem_shared>> -> memref<640x64xf32, #tpu.memory_space<vmem_shared>>
      tpu.wait_dma2 semaphore(%run_scoped3A : memref<!tpu.dma_semaphore, #tpu.memory_space<semaphore_mem>>) src(%dma_wait3A_36 : memref<640x64xf32, #tpu.memory_space<vmem_shared>>) dst(%dma_wait3A_34 : memref<640x64xf32, #tpu.memory_space<hbm>>)
      tpu.yield
    }) : () -> ()
    return
  }
}

#map = affine_map<(d0, d1) -> (0, 0)>
#map1 = affine_map<(d0, d1) -> (0, 0, 0)>
module attributes {stable_mosaic.version = 14 : i64} {
  func.func @segsum(%arg0: i32, %arg1: i32, %arg2: memref<10000x128xf32, #tpu.memory_space<hbm>>, %arg3: memref<32x80x128xi32, #tpu.memory_space<hbm>>, %arg4: memref<32x80x128xi32, #tpu.memory_space<hbm>>, %arg5: memref<10240x128xf32, #tpu.memory_space<hbm>>, %arg6: memref<2x10240x128xf32, #tpu.memory_space<hbm>>, %arg7: memref<40x128xi32, #tpu.memory_space<vmem>>, %arg8: memref<40x128xi32, #tpu.memory_space<vmem>>, %arg9: memref<128x128xf32, #tpu.memory_space<vmem>>, %arg10: memref<128x128xf32, #tpu.memory_space<vmem>>, %arg11: memref<10240x128xf32, #tpu.memory_space<vmem_shared>>, %arg12: memref<!tpu.dma_semaphore, #tpu.memory_space<semaphore_mem>>, %arg13: memref<!tpu.dma_semaphore, #tpu.memory_space<semaphore_mem>>) attributes {dimension_semantics = [#tpu.dimension_semantics<core_parallel>, #tpu.dimension_semantics<subcore_parallel>], iteration_bounds = array<i64: 2, 16>, scalar_prefetch = 0 : i64, scratch_operands = 7 : i64, tpu.core_type = #tpu.core_type<sc_vector_subcore>, window_params = [{transform_indices = #map}, {transform_indices = #map1}, {transform_indices = #map1}, {transform_indices = #map}, {transform_indices = #map1}]} {
    %mul3A = arith.constant 2 : i32
    %mul3A_0 = arith.muli %arg1, %mul3A : i32
    %add3A = arith.addi %mul3A_0, %arg0 : i32
    %mul3A_1 = arith.constant 640 : i32
    %mul3A_2 = arith.muli %arg1, %mul3A_1 : i32
    %mul3A_3 = arith.constant 640 : i32
    %mul3A_4 = arith.muli %arg1, %mul3A_3 : i32
    "tpu.region"() ({
      %run_scoped3A = tpu.sem_alloc : memref<!tpu.dma_semaphore, #tpu.memory_space<semaphore_mem>>
      %dma_start3A_47 = arith.constant 0 : i32
      %dma_start3A_48 = tpu.memref_slice %arg11[%mul3A_4, %dma_start3A_47] : memref<10240x128xf32, #tpu.memory_space<vmem_shared>> -> memref<640x128xf32, #tpu.memory_space<vmem_shared>>
      %dma_start3A_49 = arith.constant 0 : i32
      %dma_start3A_50 = tpu.memref_slice %arg5[%mul3A_2, %dma_start3A_49] : memref<10240x128xf32, #tpu.memory_space<hbm>> -> memref<640x128xf32, #tpu.memory_space<hbm>>
      tpu.enqueue_dma source(%dma_start3A_50 : memref<640x128xf32, #tpu.memory_space<hbm>>) target(%dma_start3A_48 : memref<640x128xf32, #tpu.memory_space<vmem_shared>>) target_semaphore(%run_scoped3A : memref<!tpu.dma_semaphore, #tpu.memory_space<semaphore_mem>>)
      %dma_wait3A_51 = arith.constant 0 : i32
      %dma_wait3A_52 = tpu.memref_slice %arg11[%mul3A_4, %dma_wait3A_51] : memref<10240x128xf32, #tpu.memory_space<vmem_shared>> -> memref<640x128xf32, #tpu.memory_space<vmem_shared>>
      %dma_wait3A_53 = arith.constant 0 : i32
      %dma_wait3A_54 = tpu.memref_slice %arg5[%mul3A_2, %dma_wait3A_53] : memref<10240x128xf32, #tpu.memory_space<hbm>> -> memref<640x128xf32, #tpu.memory_space<hbm>>
      tpu.wait_dma2 semaphore(%run_scoped3A : memref<!tpu.dma_semaphore, #tpu.memory_space<semaphore_mem>>) src(%dma_wait3A_54 : memref<640x128xf32, #tpu.memory_space<hbm>>) dst(%dma_wait3A_52 : memref<640x128xf32, #tpu.memory_space<vmem_shared>>)
      tpu.yield
    }) : () -> ()
    %barrier3A = arith.constant 0 : index
    tpu.barrier barrier_id(%barrier3A)
    "tpu.region"() ({
      %run_scoped3A = tpu.sem_alloc : memref<!tpu.dma_semaphore, #tpu.memory_space<semaphore_mem>>
      %dma_start3A_47 = arith.constant 0 : i32
      %dma_start3A_48 = arith.constant 0 : i32
      %dma_start3A_49 = tpu.memref_slice %arg3[%add3A, %dma_start3A_47, %dma_start3A_48] : memref<32x80x128xi32, #tpu.memory_space<hbm>> -> memref<1x40x128xi32, #tpu.memory_space<hbm>>
      %dma_start3A_50 = tpu.memref_squeeze %dma_start3A_49 : memref<1x40x128xi32, #tpu.memory_space<hbm>> -> memref<40x128xi32, #tpu.memory_space<hbm>>
      %dma_start3A_51 = arith.constant 0 : i32
      %dma_start3A_52 = arith.constant 0 : i32
      %dma_start3A_53 = tpu.memref_slice %arg3[%add3A, %dma_start3A_51, %dma_start3A_52] : memref<32x80x128xi32, #tpu.memory_space<hbm>> -> memref<1x40x128xi32, #tpu.memory_space<hbm>>
      %dma_start3A_54 = tpu.memref_squeeze %dma_start3A_53 : memref<1x40x128xi32, #tpu.memory_space<hbm>> -> memref<40x128xi32, #tpu.memory_space<hbm>>
      tpu.enqueue_dma source(%dma_start3A_54 : memref<40x128xi32, #tpu.memory_space<hbm>>) target(%arg7 : memref<40x128xi32, #tpu.memory_space<vmem>>) target_semaphore(%run_scoped3A : memref<!tpu.dma_semaphore, #tpu.memory_space<semaphore_mem>>)
      %dma_wait3A_55 = arith.constant 0 : i32
      %dma_wait3A_56 = arith.constant 0 : i32
      %dma_wait3A_57 = tpu.memref_slice %arg3[%add3A, %dma_wait3A_55, %dma_wait3A_56] : memref<32x80x128xi32, #tpu.memory_space<hbm>> -> memref<1x40x128xi32, #tpu.memory_space<hbm>>
      %dma_wait3A_58 = tpu.memref_squeeze %dma_wait3A_57 : memref<1x40x128xi32, #tpu.memory_space<hbm>> -> memref<40x128xi32, #tpu.memory_space<hbm>>
      %dma_wait3A_59 = arith.constant 0 : i32
      %dma_wait3A_60 = arith.constant 0 : i32
      %dma_wait3A_61 = tpu.memref_slice %arg3[%add3A, %dma_wait3A_59, %dma_wait3A_60] : memref<32x80x128xi32, #tpu.memory_space<hbm>> -> memref<1x40x128xi32, #tpu.memory_space<hbm>>
      %dma_wait3A_62 = tpu.memref_squeeze %dma_wait3A_61 : memref<1x40x128xi32, #tpu.memory_space<hbm>> -> memref<40x128xi32, #tpu.memory_space<hbm>>
      tpu.wait_dma2 semaphore(%run_scoped3A : memref<!tpu.dma_semaphore, #tpu.memory_space<semaphore_mem>>) src(%dma_wait3A_62 : memref<40x128xi32, #tpu.memory_space<hbm>>) dst(%arg7 : memref<40x128xi32, #tpu.memory_space<vmem>>)
      tpu.yield
    }) : () -> ()
    "tpu.region"() ({
      %run_scoped3A = tpu.sem_alloc : memref<!tpu.dma_semaphore, #tpu.memory_space<semaphore_mem>>
      %dma_start3A_47 = arith.constant 0 : i32
      %dma_start3A_48 = arith.constant 0 : i32
      %dma_start3A_49 = tpu.memref_slice %arg4[%add3A, %dma_start3A_47, %dma_start3A_48] : memref<32x80x128xi32, #tpu.memory_space<hbm>> -> memref<1x40x128xi32, #tpu.memory_space<hbm>>
      %dma_start3A_50 = tpu.memref_squeeze %dma_start3A_49 : memref<1x40x128xi32, #tpu.memory_space<hbm>> -> memref<40x128xi32, #tpu.memory_space<hbm>>
      %dma_start3A_51 = arith.constant 0 : i32
      %dma_start3A_52 = arith.constant 0 : i32
      %dma_start3A_53 = tpu.memref_slice %arg4[%add3A, %dma_start3A_51, %dma_start3A_52] : memref<32x80x128xi32, #tpu.memory_space<hbm>> -> memref<1x40x128xi32, #tpu.memory_space<hbm>>
      %dma_start3A_54 = tpu.memref_squeeze %dma_start3A_53 : memref<1x40x128xi32, #tpu.memory_space<hbm>> -> memref<40x128xi32, #tpu.memory_space<hbm>>
      tpu.enqueue_dma source(%dma_start3A_54 : memref<40x128xi32, #tpu.memory_space<hbm>>) target(%arg8 : memref<40x128xi32, #tpu.memory_space<vmem>>) target_semaphore(%run_scoped3A : memref<!tpu.dma_semaphore, #tpu.memory_space<semaphore_mem>>)
      %dma_wait3A_55 = arith.constant 0 : i32
      %dma_wait3A_56 = arith.constant 0 : i32
      %dma_wait3A_57 = tpu.memref_slice %arg4[%add3A, %dma_wait3A_55, %dma_wait3A_56] : memref<32x80x128xi32, #tpu.memory_space<hbm>> -> memref<1x40x128xi32, #tpu.memory_space<hbm>>
      %dma_wait3A_58 = tpu.memref_squeeze %dma_wait3A_57 : memref<1x40x128xi32, #tpu.memory_space<hbm>> -> memref<40x128xi32, #tpu.memory_space<hbm>>
      %dma_wait3A_59 = arith.constant 0 : i32
      %dma_wait3A_60 = arith.constant 0 : i32
      %dma_wait3A_61 = tpu.memref_slice %arg4[%add3A, %dma_wait3A_59, %dma_wait3A_60] : memref<32x80x128xi32, #tpu.memory_space<hbm>> -> memref<1x40x128xi32, #tpu.memory_space<hbm>>
      %dma_wait3A_62 = tpu.memref_squeeze %dma_wait3A_61 : memref<1x40x128xi32, #tpu.memory_space<hbm>> -> memref<40x128xi32, #tpu.memory_space<hbm>>
      tpu.wait_dma2 semaphore(%run_scoped3A : memref<!tpu.dma_semaphore, #tpu.memory_space<semaphore_mem>>) src(%dma_wait3A_62 : memref<40x128xi32, #tpu.memory_space<hbm>>) dst(%arg8 : memref<40x128xi32, #tpu.memory_space<vmem>>)
      tpu.yield
    }) : () -> ()
    %dma_start3A = arith.constant 0 : i32
    %dma_start3A_5 = arith.constant 0 : i32
    %dma_start3A_6 = tpu.memref_slice %arg7[%dma_start3A, %dma_start3A_5] : memref<40x128xi32, #tpu.memory_space<vmem>> -> memref<1x128xi32, #tpu.memory_space<vmem>>
    %dma_start3A_7 = tpu.memref_squeeze %dma_start3A_6 : memref<1x128xi32, #tpu.memory_space<vmem>> -> memref<128xi32, #tpu.memory_space<vmem>>
    %dma_start3A_8 = arith.constant 0 : i32
    %dma_start3A_9 = arith.constant 0 : i32
    %dma_start3A_10 = tpu.memref_slice %arg2[%dma_start3A_8, %dma_start3A_9] : memref<10000x128xf32, #tpu.memory_space<hbm>> -> memref<10000x128xf32, #tpu.memory_space<hbm>>
    tpu.enqueue_indirect_dma source(%dma_start3A_10 : memref<10000x128xf32, #tpu.memory_space<hbm>>) target(%arg9 : memref<128x128xf32, #tpu.memory_space<vmem>>) offsets(%dma_start3A_7 : memref<128xi32, #tpu.memory_space<vmem>>) semaphore(%arg12 : memref<!tpu.dma_semaphore, #tpu.memory_space<semaphore_mem>>)
    %scan3A = arith.constant 0 : i32
    %scan3A_11 = arith.constant 0 : i32
    %scan3A_12 = arith.constant 20 : i32
    %scan3A_13 = arith.addi %scan3A_11, %scan3A_12 : i32
    %scan3A_14 = arith.constant 1 : i32
    scf.for %scan3A_47 = %scan3A_11 to %scan3A_13 step %scan3A_14  : i32 {
      %mul3A_48 = arith.constant 2 : i32
      %mul3A_49 = arith.muli %mul3A_48, %scan3A_47 : i32
      %add3A_50 = arith.constant 1 : i32
      %add3A_51 = arith.addi %mul3A_49, %add3A_50 : i32
      %add3A_52 = arith.constant 2 : i32
      %add3A_53 = arith.addi %mul3A_49, %add3A_52 : i32
      %min3A = arith.constant 39 : i32
      %min3A_54 = arith.minsi %add3A_53, %min3A : i32
      %dma_wait3A_55 = arith.constant 0 : i32
      %dma_wait3A_56 = tpu.memref_slice %arg7[%mul3A_49, %dma_wait3A_55] : memref<40x128xi32, #tpu.memory_space<vmem>> -> memref<1x128xi32, #tpu.memory_space<vmem>>
      %dma_wait3A_57 = tpu.memref_squeeze %dma_wait3A_56 : memref<1x128xi32, #tpu.memory_space<vmem>> -> memref<128xi32, #tpu.memory_space<vmem>>
      %dma_wait3A_58 = arith.constant 0 : i32
      %dma_wait3A_59 = arith.constant 0 : i32
      %dma_wait3A_60 = tpu.memref_slice %arg2[%dma_wait3A_58, %dma_wait3A_59] : memref<10000x128xf32, #tpu.memory_space<hbm>> -> memref<10000x128xf32, #tpu.memory_space<hbm>>
      tpu.wait_indirect_dma semaphore(%arg12 : memref<!tpu.dma_semaphore, #tpu.memory_space<semaphore_mem>>) src(%dma_wait3A_60 : memref<10000x128xf32, #tpu.memory_space<hbm>>) dst(%arg9 : memref<128x128xf32, #tpu.memory_space<vmem>>)
      %dma_start3A_61 = arith.constant 0 : i32
      %dma_start3A_62 = tpu.memref_slice %arg7[%add3A_51, %dma_start3A_61] : memref<40x128xi32, #tpu.memory_space<vmem>> -> memref<1x128xi32, #tpu.memory_space<vmem>>
      %dma_start3A_63 = tpu.memref_squeeze %dma_start3A_62 : memref<1x128xi32, #tpu.memory_space<vmem>> -> memref<128xi32, #tpu.memory_space<vmem>>
      %dma_start3A_64 = arith.constant 0 : i32
      %dma_start3A_65 = arith.constant 0 : i32
      %dma_start3A_66 = tpu.memref_slice %arg2[%dma_start3A_64, %dma_start3A_65] : memref<10000x128xf32, #tpu.memory_space<hbm>> -> memref<10000x128xf32, #tpu.memory_space<hbm>>
      tpu.enqueue_indirect_dma source(%dma_start3A_66 : memref<10000x128xf32, #tpu.memory_space<hbm>>) target(%arg10 : memref<128x128xf32, #tpu.memory_space<vmem>>) offsets(%dma_start3A_63 : memref<128xi32, #tpu.memory_space<vmem>>) semaphore(%arg13 : memref<!tpu.dma_semaphore, #tpu.memory_space<semaphore_mem>>)
      "tpu.region"() ({
        %run_scoped3A = tpu.sem_alloc : memref<!tpu.dma_semaphore, #tpu.memory_space<semaphore_mem>>
        %dma_start3A_79 = arith.constant 0 : i32
        %dma_start3A_80 = tpu.memref_slice %arg8[%mul3A_49, %dma_start3A_79] : memref<40x128xi32, #tpu.memory_space<vmem>> -> memref<1x128xi32, #tpu.memory_space<vmem>>
        %dma_start3A_81 = tpu.memref_squeeze %dma_start3A_80 : memref<1x128xi32, #tpu.memory_space<vmem>> -> memref<128xi32, #tpu.memory_space<vmem>>
        %dma_start3A_82 = arith.constant 0 : i32
        %dma_start3A_83 = arith.constant 0 : i32
        %dma_start3A_84 = tpu.memref_slice %arg11[%dma_start3A_82, %dma_start3A_83] : memref<10240x128xf32, #tpu.memory_space<vmem_shared>> -> memref<10240x128xf32, #tpu.memory_space<vmem_shared>>
        tpu.enqueue_indirect_dma source(%arg9 : memref<128x128xf32, #tpu.memory_space<vmem>>) target(%dma_start3A_84 : memref<10240x128xf32, #tpu.memory_space<vmem_shared>>) offsets(%dma_start3A_81 : memref<128xi32, #tpu.memory_space<vmem>>) semaphore(%run_scoped3A : memref<!tpu.dma_semaphore, #tpu.memory_space<semaphore_mem>>) {add = true}
        %dma_wait3A_85 = arith.constant 0 : i32
        %dma_wait3A_86 = tpu.memref_slice %arg8[%mul3A_49, %dma_wait3A_85] : memref<40x128xi32, #tpu.memory_space<vmem>> -> memref<1x128xi32, #tpu.memory_space<vmem>>
        %dma_wait3A_87 = tpu.memref_squeeze %dma_wait3A_86 : memref<1x128xi32, #tpu.memory_space<vmem>> -> memref<128xi32, #tpu.memory_space<vmem>>
        %dma_wait3A_88 = arith.constant 0 : i32
        %dma_wait3A_89 = arith.constant 0 : i32
        %dma_wait3A_90 = tpu.memref_slice %arg11[%dma_wait3A_88, %dma_wait3A_89] : memref<10240x128xf32, #tpu.memory_space<vmem_shared>> -> memref<10240x128xf32, #tpu.memory_space<vmem_shared>>
        tpu.wait_indirect_dma semaphore(%run_scoped3A : memref<!tpu.dma_semaphore, #tpu.memory_space<semaphore_mem>>) src(%arg9 : memref<128x128xf32, #tpu.memory_space<vmem>>) dst(%dma_wait3A_90 : memref<10240x128xf32, #tpu.memory_space<vmem_shared>>)
        tpu.yield
      }) : () -> ()
      %dma_wait3A_67 = arith.constant 0 : i32
      %dma_wait3A_68 = tpu.memref_slice %arg7[%add3A_51, %dma_wait3A_67] : memref<40x128xi32, #tpu.memory_space<vmem>> -> memref<1x128xi32, #tpu.memory_space<vmem>>
      %dma_wait3A_69 = tpu.memref_squeeze %dma_wait3A_68 : memref<1x128xi32, #tpu.memory_space<vmem>> -> memref<128xi32, #tpu.memory_space<vmem>>
      %dma_wait3A_70 = arith.constant 0 : i32
      %dma_wait3A_71 = arith.constant 0 : i32
      %dma_wait3A_72 = tpu.memref_slice %arg2[%dma_wait3A_70, %dma_wait3A_71] : memref<10000x128xf32, #tpu.memory_space<hbm>> -> memref<10000x128xf32, #tpu.memory_space<hbm>>
      tpu.wait_indirect_dma semaphore(%arg13 : memref<!tpu.dma_semaphore, #tpu.memory_space<semaphore_mem>>) src(%dma_wait3A_72 : memref<10000x128xf32, #tpu.memory_space<hbm>>) dst(%arg10 : memref<128x128xf32, #tpu.memory_space<vmem>>)
      %dma_start3A_73 = arith.constant 0 : i32
      %dma_start3A_74 = tpu.memref_slice %arg7[%min3A_54, %dma_start3A_73] : memref<40x128xi32, #tpu.memory_space<vmem>> -> memref<1x128xi32, #tpu.memory_space<vmem>>
      %dma_start3A_75 = tpu.memref_squeeze %dma_start3A_74 : memref<1x128xi32, #tpu.memory_space<vmem>> -> memref<128xi32, #tpu.memory_space<vmem>>
      %dma_start3A_76 = arith.constant 0 : i32
      %dma_start3A_77 = arith.constant 0 : i32
      %dma_start3A_78 = tpu.memref_slice %arg2[%dma_start3A_76, %dma_start3A_77] : memref<10000x128xf32, #tpu.memory_space<hbm>> -> memref<10000x128xf32, #tpu.memory_space<hbm>>
      tpu.enqueue_indirect_dma source(%dma_start3A_78 : memref<10000x128xf32, #tpu.memory_space<hbm>>) target(%arg9 : memref<128x128xf32, #tpu.memory_space<vmem>>) offsets(%dma_start3A_75 : memref<128xi32, #tpu.memory_space<vmem>>) semaphore(%arg12 : memref<!tpu.dma_semaphore, #tpu.memory_space<semaphore_mem>>)
      "tpu.region"() ({
        %run_scoped3A = tpu.sem_alloc : memref<!tpu.dma_semaphore, #tpu.memory_space<semaphore_mem>>
        %dma_start3A_79 = arith.constant 0 : i32
        %dma_start3A_80 = tpu.memref_slice %arg8[%add3A_51, %dma_start3A_79] : memref<40x128xi32, #tpu.memory_space<vmem>> -> memref<1x128xi32, #tpu.memory_space<vmem>>
        %dma_start3A_81 = tpu.memref_squeeze %dma_start3A_80 : memref<1x128xi32, #tpu.memory_space<vmem>> -> memref<128xi32, #tpu.memory_space<vmem>>
        %dma_start3A_82 = arith.constant 0 : i32
        %dma_start3A_83 = arith.constant 0 : i32
        %dma_start3A_84 = tpu.memref_slice %arg11[%dma_start3A_82, %dma_start3A_83] : memref<10240x128xf32, #tpu.memory_space<vmem_shared>> -> memref<10240x128xf32, #tpu.memory_space<vmem_shared>>
        tpu.enqueue_indirect_dma source(%arg10 : memref<128x128xf32, #tpu.memory_space<vmem>>) target(%dma_start3A_84 : memref<10240x128xf32, #tpu.memory_space<vmem_shared>>) offsets(%dma_start3A_81 : memref<128xi32, #tpu.memory_space<vmem>>) semaphore(%run_scoped3A : memref<!tpu.dma_semaphore, #tpu.memory_space<semaphore_mem>>) {add = true}
        %dma_wait3A_85 = arith.constant 0 : i32
        %dma_wait3A_86 = tpu.memref_slice %arg8[%add3A_51, %dma_wait3A_85] : memref<40x128xi32, #tpu.memory_space<vmem>> -> memref<1x128xi32, #tpu.memory_space<vmem>>
        %dma_wait3A_87 = tpu.memref_squeeze %dma_wait3A_86 : memref<1x128xi32, #tpu.memory_space<vmem>> -> memref<128xi32, #tpu.memory_space<vmem>>
        %dma_wait3A_88 = arith.constant 0 : i32
        %dma_wait3A_89 = arith.constant 0 : i32
        %dma_wait3A_90 = tpu.memref_slice %arg11[%dma_wait3A_88, %dma_wait3A_89] : memref<10240x128xf32, #tpu.memory_space<vmem_shared>> -> memref<10240x128xf32, #tpu.memory_space<vmem_shared>>
        tpu.wait_indirect_dma semaphore(%run_scoped3A : memref<!tpu.dma_semaphore, #tpu.memory_space<semaphore_mem>>) src(%arg10 : memref<128x128xf32, #tpu.memory_space<vmem>>) dst(%dma_wait3A_90 : memref<10240x128xf32, #tpu.memory_space<vmem_shared>>)
        tpu.yield
      }) : () -> ()
    }
    %scan3A_15 = arith.constant 20 : i32
    %dma_wait3A = arith.constant 0 : i32
    %dma_wait3A_16 = arith.constant 0 : i32
    %dma_wait3A_17 = tpu.memref_slice %arg7[%dma_wait3A, %dma_wait3A_16] : memref<40x128xi32, #tpu.memory_space<vmem>> -> memref<1x128xi32, #tpu.memory_space<vmem>>
    %dma_wait3A_18 = tpu.memref_squeeze %dma_wait3A_17 : memref<1x128xi32, #tpu.memory_space<vmem>> -> memref<128xi32, #tpu.memory_space<vmem>>
    %dma_wait3A_19 = arith.constant 0 : i32
    %dma_wait3A_20 = arith.constant 0 : i32
    %dma_wait3A_21 = tpu.memref_slice %arg2[%dma_wait3A_19, %dma_wait3A_20] : memref<10000x128xf32, #tpu.memory_space<hbm>> -> memref<10000x128xf32, #tpu.memory_space<hbm>>
    tpu.wait_indirect_dma semaphore(%arg12 : memref<!tpu.dma_semaphore, #tpu.memory_space<semaphore_mem>>) src(%dma_wait3A_21 : memref<10000x128xf32, #tpu.memory_space<hbm>>) dst(%arg9 : memref<128x128xf32, #tpu.memory_space<vmem>>)
    "tpu.region"() ({
      %run_scoped3A = tpu.sem_alloc : memref<!tpu.dma_semaphore, #tpu.memory_space<semaphore_mem>>
      %dma_start3A_47 = arith.constant 40 : i32
      %dma_start3A_48 = arith.constant 0 : i32
      %dma_start3A_49 = tpu.memref_slice %arg3[%add3A, %dma_start3A_47, %dma_start3A_48] : memref<32x80x128xi32, #tpu.memory_space<hbm>> -> memref<1x40x128xi32, #tpu.memory_space<hbm>>
      %dma_start3A_50 = tpu.memref_squeeze %dma_start3A_49 : memref<1x40x128xi32, #tpu.memory_space<hbm>> -> memref<40x128xi32, #tpu.memory_space<hbm>>
      %dma_start3A_51 = arith.constant 40 : i32
      %dma_start3A_52 = arith.constant 0 : i32
      %dma_start3A_53 = tpu.memref_slice %arg3[%add3A, %dma_start3A_51, %dma_start3A_52] : memref<32x80x128xi32, #tpu.memory_space<hbm>> -> memref<1x40x128xi32, #tpu.memory_space<hbm>>
      %dma_start3A_54 = tpu.memref_squeeze %dma_start3A_53 : memref<1x40x128xi32, #tpu.memory_space<hbm>> -> memref<40x128xi32, #tpu.memory_space<hbm>>
      tpu.enqueue_dma source(%dma_start3A_54 : memref<40x128xi32, #tpu.memory_space<hbm>>) target(%arg7 : memref<40x128xi32, #tpu.memory_space<vmem>>) target_semaphore(%run_scoped3A : memref<!tpu.dma_semaphore, #tpu.memory_space<semaphore_mem>>)
      %dma_wait3A_55 = arith.constant 40 : i32
      %dma_wait3A_56 = arith.constant 0 : i32
      %dma_wait3A_57 = tpu.memref_slice %arg3[%add3A, %dma_wait3A_55, %dma_wait3A_56] : memref<32x80x128xi32, #tpu.memory_space<hbm>> -> memref<1x40x128xi32, #tpu.memory_space<hbm>>
      %dma_wait3A_58 = tpu.memref_squeeze %dma_wait3A_57 : memref<1x40x128xi32, #tpu.memory_space<hbm>> -> memref<40x128xi32, #tpu.memory_space<hbm>>
      %dma_wait3A_59 = arith.constant 40 : i32
      %dma_wait3A_60 = arith.constant 0 : i32
      %dma_wait3A_61 = tpu.memref_slice %arg3[%add3A, %dma_wait3A_59, %dma_wait3A_60] : memref<32x80x128xi32, #tpu.memory_space<hbm>> -> memref<1x40x128xi32, #tpu.memory_space<hbm>>
      %dma_wait3A_62 = tpu.memref_squeeze %dma_wait3A_61 : memref<1x40x128xi32, #tpu.memory_space<hbm>> -> memref<40x128xi32, #tpu.memory_space<hbm>>
      tpu.wait_dma2 semaphore(%run_scoped3A : memref<!tpu.dma_semaphore, #tpu.memory_space<semaphore_mem>>) src(%dma_wait3A_62 : memref<40x128xi32, #tpu.memory_space<hbm>>) dst(%arg7 : memref<40x128xi32, #tpu.memory_space<vmem>>)
      tpu.yield
    }) : () -> ()
    "tpu.region"() ({
      %run_scoped3A = tpu.sem_alloc : memref<!tpu.dma_semaphore, #tpu.memory_space<semaphore_mem>>
      %dma_start3A_47 = arith.constant 40 : i32
      %dma_start3A_48 = arith.constant 0 : i32
      %dma_start3A_49 = tpu.memref_slice %arg4[%add3A, %dma_start3A_47, %dma_start3A_48] : memref<32x80x128xi32, #tpu.memory_space<hbm>> -> memref<1x40x128xi32, #tpu.memory_space<hbm>>
      %dma_start3A_50 = tpu.memref_squeeze %dma_start3A_49 : memref<1x40x128xi32, #tpu.memory_space<hbm>> -> memref<40x128xi32, #tpu.memory_space<hbm>>
      %dma_start3A_51 = arith.constant 40 : i32
      %dma_start3A_52 = arith.constant 0 : i32
      %dma_start3A_53 = tpu.memref_slice %arg4[%add3A, %dma_start3A_51, %dma_start3A_52] : memref<32x80x128xi32, #tpu.memory_space<hbm>> -> memref<1x40x128xi32, #tpu.memory_space<hbm>>
      %dma_start3A_54 = tpu.memref_squeeze %dma_start3A_53 : memref<1x40x128xi32, #tpu.memory_space<hbm>> -> memref<40x128xi32, #tpu.memory_space<hbm>>
      tpu.enqueue_dma source(%dma_start3A_54 : memref<40x128xi32, #tpu.memory_space<hbm>>) target(%arg8 : memref<40x128xi32, #tpu.memory_space<vmem>>) target_semaphore(%run_scoped3A : memref<!tpu.dma_semaphore, #tpu.memory_space<semaphore_mem>>)
      %dma_wait3A_55 = arith.constant 40 : i32
      %dma_wait3A_56 = arith.constant 0 : i32
      %dma_wait3A_57 = tpu.memref_slice %arg4[%add3A, %dma_wait3A_55, %dma_wait3A_56] : memref<32x80x128xi32, #tpu.memory_space<hbm>> -> memref<1x40x128xi32, #tpu.memory_space<hbm>>
      %dma_wait3A_58 = tpu.memref_squeeze %dma_wait3A_57 : memref<1x40x128xi32, #tpu.memory_space<hbm>> -> memref<40x128xi32, #tpu.memory_space<hbm>>
      %dma_wait3A_59 = arith.constant 40 : i32
      %dma_wait3A_60 = arith.constant 0 : i32
      %dma_wait3A_61 = tpu.memref_slice %arg4[%add3A, %dma_wait3A_59, %dma_wait3A_60] : memref<32x80x128xi32, #tpu.memory_space<hbm>> -> memref<1x40x128xi32, #tpu.memory_space<hbm>>
      %dma_wait3A_62 = tpu.memref_squeeze %dma_wait3A_61 : memref<1x40x128xi32, #tpu.memory_space<hbm>> -> memref<40x128xi32, #tpu.memory_space<hbm>>
      tpu.wait_dma2 semaphore(%run_scoped3A : memref<!tpu.dma_semaphore, #tpu.memory_space<semaphore_mem>>) src(%dma_wait3A_62 : memref<40x128xi32, #tpu.memory_space<hbm>>) dst(%arg8 : memref<40x128xi32, #tpu.memory_space<vmem>>)
      tpu.yield
    }) : () -> ()
    %dma_start3A_22 = arith.constant 0 : i32
    %dma_start3A_23 = arith.constant 0 : i32
    %dma_start3A_24 = tpu.memref_slice %arg7[%dma_start3A_22, %dma_start3A_23] : memref<40x128xi32, #tpu.memory_space<vmem>> -> memref<1x128xi32, #tpu.memory_space<vmem>>
    %dma_start3A_25 = tpu.memref_squeeze %dma_start3A_24 : memref<1x128xi32, #tpu.memory_space<vmem>> -> memref<128xi32, #tpu.memory_space<vmem>>
    %dma_start3A_26 = arith.constant 0 : i32
    %dma_start3A_27 = arith.constant 0 : i32
    %dma_start3A_28 = tpu.memref_slice %arg2[%dma_start3A_26, %dma_start3A_27] : memref<10000x128xf32, #tpu.memory_space<hbm>> -> memref<10000x128xf32, #tpu.memory_space<hbm>>
    tpu.enqueue_indirect_dma source(%dma_start3A_28 : memref<10000x128xf32, #tpu.memory_space<hbm>>) target(%arg9 : memref<128x128xf32, #tpu.memory_space<vmem>>) offsets(%dma_start3A_25 : memref<128xi32, #tpu.memory_space<vmem>>) semaphore(%arg12 : memref<!tpu.dma_semaphore, #tpu.memory_space<semaphore_mem>>)
    %scan3A_29 = arith.constant 0 : i32
    %scan3A_30 = arith.constant 0 : i32
    %scan3A_31 = arith.constant 20 : i32
    %scan3A_32 = arith.addi %scan3A_30, %scan3A_31 : i32
    %scan3A_33 = arith.constant 1 : i32
    scf.for %scan3A_47 = %scan3A_30 to %scan3A_32 step %scan3A_33  : i32 {
      %mul3A_48 = arith.constant 2 : i32
      %mul3A_49 = arith.muli %mul3A_48, %scan3A_47 : i32
      %add3A_50 = arith.constant 1 : i32
      %add3A_51 = arith.addi %mul3A_49, %add3A_50 : i32
      %add3A_52 = arith.constant 2 : i32
      %add3A_53 = arith.addi %mul3A_49, %add3A_52 : i32
      %min3A = arith.constant 39 : i32
      %min3A_54 = arith.minsi %add3A_53, %min3A : i32
      %dma_wait3A_55 = arith.constant 0 : i32
      %dma_wait3A_56 = tpu.memref_slice %arg7[%mul3A_49, %dma_wait3A_55] : memref<40x128xi32, #tpu.memory_space<vmem>> -> memref<1x128xi32, #tpu.memory_space<vmem>>
      %dma_wait3A_57 = tpu.memref_squeeze %dma_wait3A_56 : memref<1x128xi32, #tpu.memory_space<vmem>> -> memref<128xi32, #tpu.memory_space<vmem>>
      %dma_wait3A_58 = arith.constant 0 : i32
      %dma_wait3A_59 = arith.constant 0 : i32
      %dma_wait3A_60 = tpu.memref_slice %arg2[%dma_wait3A_58, %dma_wait3A_59] : memref<10000x128xf32, #tpu.memory_space<hbm>> -> memref<10000x128xf32, #tpu.memory_space<hbm>>
      tpu.wait_indirect_dma semaphore(%arg12 : memref<!tpu.dma_semaphore, #tpu.memory_space<semaphore_mem>>) src(%dma_wait3A_60 : memref<10000x128xf32, #tpu.memory_space<hbm>>) dst(%arg9 : memref<128x128xf32, #tpu.memory_space<vmem>>)
      %dma_start3A_61 = arith.constant 0 : i32
      %dma_start3A_62 = tpu.memref_slice %arg7[%add3A_51, %dma_start3A_61] : memref<40x128xi32, #tpu.memory_space<vmem>> -> memref<1x128xi32, #tpu.memory_space<vmem>>
      %dma_start3A_63 = tpu.memref_squeeze %dma_start3A_62 : memref<1x128xi32, #tpu.memory_space<vmem>> -> memref<128xi32, #tpu.memory_space<vmem>>
      %dma_start3A_64 = arith.constant 0 : i32
      %dma_start3A_65 = arith.constant 0 : i32
      %dma_start3A_66 = tpu.memref_slice %arg2[%dma_start3A_64, %dma_start3A_65] : memref<10000x128xf32, #tpu.memory_space<hbm>> -> memref<10000x128xf32, #tpu.memory_space<hbm>>
      tpu.enqueue_indirect_dma source(%dma_start3A_66 : memref<10000x128xf32, #tpu.memory_space<hbm>>) target(%arg10 : memref<128x128xf32, #tpu.memory_space<vmem>>) offsets(%dma_start3A_63 : memref<128xi32, #tpu.memory_space<vmem>>) semaphore(%arg13 : memref<!tpu.dma_semaphore, #tpu.memory_space<semaphore_mem>>)
      "tpu.region"() ({
        %run_scoped3A = tpu.sem_alloc : memref<!tpu.dma_semaphore, #tpu.memory_space<semaphore_mem>>
        %dma_start3A_79 = arith.constant 0 : i32
        %dma_start3A_80 = tpu.memref_slice %arg8[%mul3A_49, %dma_start3A_79] : memref<40x128xi32, #tpu.memory_space<vmem>> -> memref<1x128xi32, #tpu.memory_space<vmem>>
        %dma_start3A_81 = tpu.memref_squeeze %dma_start3A_80 : memref<1x128xi32, #tpu.memory_space<vmem>> -> memref<128xi32, #tpu.memory_space<vmem>>
        %dma_start3A_82 = arith.constant 0 : i32
        %dma_start3A_83 = arith.constant 0 : i32
        %dma_start3A_84 = tpu.memref_slice %arg11[%dma_start3A_82, %dma_start3A_83] : memref<10240x128xf32, #tpu.memory_space<vmem_shared>> -> memref<10240x128xf32, #tpu.memory_space<vmem_shared>>
        tpu.enqueue_indirect_dma source(%arg9 : memref<128x128xf32, #tpu.memory_space<vmem>>) target(%dma_start3A_84 : memref<10240x128xf32, #tpu.memory_space<vmem_shared>>) offsets(%dma_start3A_81 : memref<128xi32, #tpu.memory_space<vmem>>) semaphore(%run_scoped3A : memref<!tpu.dma_semaphore, #tpu.memory_space<semaphore_mem>>) {add = true}
        %dma_wait3A_85 = arith.constant 0 : i32
        %dma_wait3A_86 = tpu.memref_slice %arg8[%mul3A_49, %dma_wait3A_85] : memref<40x128xi32, #tpu.memory_space<vmem>> -> memref<1x128xi32, #tpu.memory_space<vmem>>
        %dma_wait3A_87 = tpu.memref_squeeze %dma_wait3A_86 : memref<1x128xi32, #tpu.memory_space<vmem>> -> memref<128xi32, #tpu.memory_space<vmem>>
        %dma_wait3A_88 = arith.constant 0 : i32
        %dma_wait3A_89 = arith.constant 0 : i32
        %dma_wait3A_90 = tpu.memref_slice %arg11[%dma_wait3A_88, %dma_wait3A_89] : memref<10240x128xf32, #tpu.memory_space<vmem_shared>> -> memref<10240x128xf32, #tpu.memory_space<vmem_shared>>
        tpu.wait_indirect_dma semaphore(%run_scoped3A : memref<!tpu.dma_semaphore, #tpu.memory_space<semaphore_mem>>) src(%arg9 : memref<128x128xf32, #tpu.memory_space<vmem>>) dst(%dma_wait3A_90 : memref<10240x128xf32, #tpu.memory_space<vmem_shared>>)
        tpu.yield
      }) : () -> ()
      %dma_wait3A_67 = arith.constant 0 : i32
      %dma_wait3A_68 = tpu.memref_slice %arg7[%add3A_51, %dma_wait3A_67] : memref<40x128xi32, #tpu.memory_space<vmem>> -> memref<1x128xi32, #tpu.memory_space<vmem>>
      %dma_wait3A_69 = tpu.memref_squeeze %dma_wait3A_68 : memref<1x128xi32, #tpu.memory_space<vmem>> -> memref<128xi32, #tpu.memory_space<vmem>>
      %dma_wait3A_70 = arith.constant 0 : i32
      %dma_wait3A_71 = arith.constant 0 : i32
      %dma_wait3A_72 = tpu.memref_slice %arg2[%dma_wait3A_70, %dma_wait3A_71] : memref<10000x128xf32, #tpu.memory_space<hbm>> -> memref<10000x128xf32, #tpu.memory_space<hbm>>
      tpu.wait_indirect_dma semaphore(%arg13 : memref<!tpu.dma_semaphore, #tpu.memory_space<semaphore_mem>>) src(%dma_wait3A_72 : memref<10000x128xf32, #tpu.memory_space<hbm>>) dst(%arg10 : memref<128x128xf32, #tpu.memory_space<vmem>>)
      %dma_start3A_73 = arith.constant 0 : i32
      %dma_start3A_74 = tpu.memref_slice %arg7[%min3A_54, %dma_start3A_73] : memref<40x128xi32, #tpu.memory_space<vmem>> -> memref<1x128xi32, #tpu.memory_space<vmem>>
      %dma_start3A_75 = tpu.memref_squeeze %dma_start3A_74 : memref<1x128xi32, #tpu.memory_space<vmem>> -> memref<128xi32, #tpu.memory_space<vmem>>
      %dma_start3A_76 = arith.constant 0 : i32
      %dma_start3A_77 = arith.constant 0 : i32
      %dma_start3A_78 = tpu.memref_slice %arg2[%dma_start3A_76, %dma_start3A_77] : memref<10000x128xf32, #tpu.memory_space<hbm>> -> memref<10000x128xf32, #tpu.memory_space<hbm>>
      tpu.enqueue_indirect_dma source(%dma_start3A_78 : memref<10000x128xf32, #tpu.memory_space<hbm>>) target(%arg9 : memref<128x128xf32, #tpu.memory_space<vmem>>) offsets(%dma_start3A_75 : memref<128xi32, #tpu.memory_space<vmem>>) semaphore(%arg12 : memref<!tpu.dma_semaphore, #tpu.memory_space<semaphore_mem>>)
      "tpu.region"() ({
        %run_scoped3A = tpu.sem_alloc : memref<!tpu.dma_semaphore, #tpu.memory_space<semaphore_mem>>
        %dma_start3A_79 = arith.constant 0 : i32
        %dma_start3A_80 = tpu.memref_slice %arg8[%add3A_51, %dma_start3A_79] : memref<40x128xi32, #tpu.memory_space<vmem>> -> memref<1x128xi32, #tpu.memory_space<vmem>>
        %dma_start3A_81 = tpu.memref_squeeze %dma_start3A_80 : memref<1x128xi32, #tpu.memory_space<vmem>> -> memref<128xi32, #tpu.memory_space<vmem>>
        %dma_start3A_82 = arith.constant 0 : i32
        %dma_start3A_83 = arith.constant 0 : i32
        %dma_start3A_84 = tpu.memref_slice %arg11[%dma_start3A_82, %dma_start3A_83] : memref<10240x128xf32, #tpu.memory_space<vmem_shared>> -> memref<10240x128xf32, #tpu.memory_space<vmem_shared>>
        tpu.enqueue_indirect_dma source(%arg10 : memref<128x128xf32, #tpu.memory_space<vmem>>) target(%dma_start3A_84 : memref<10240x128xf32, #tpu.memory_space<vmem_shared>>) offsets(%dma_start3A_81 : memref<128xi32, #tpu.memory_space<vmem>>) semaphore(%run_scoped3A : memref<!tpu.dma_semaphore, #tpu.memory_space<semaphore_mem>>) {add = true}
        %dma_wait3A_85 = arith.constant 0 : i32
        %dma_wait3A_86 = tpu.memref_slice %arg8[%add3A_51, %dma_wait3A_85] : memref<40x128xi32, #tpu.memory_space<vmem>> -> memref<1x128xi32, #tpu.memory_space<vmem>>
        %dma_wait3A_87 = tpu.memref_squeeze %dma_wait3A_86 : memref<1x128xi32, #tpu.memory_space<vmem>> -> memref<128xi32, #tpu.memory_space<vmem>>
        %dma_wait3A_88 = arith.constant 0 : i32
        %dma_wait3A_89 = arith.constant 0 : i32
        %dma_wait3A_90 = tpu.memref_slice %arg11[%dma_wait3A_88, %dma_wait3A_89] : memref<10240x128xf32, #tpu.memory_space<vmem_shared>> -> memref<10240x128xf32, #tpu.memory_space<vmem_shared>>
        tpu.wait_indirect_dma semaphore(%run_scoped3A : memref<!tpu.dma_semaphore, #tpu.memory_space<semaphore_mem>>) src(%arg10 : memref<128x128xf32, #tpu.memory_space<vmem>>) dst(%dma_wait3A_90 : memref<10240x128xf32, #tpu.memory_space<vmem_shared>>)
        tpu.yield
      }) : () -> ()
    }
    %scan3A_34 = arith.constant 20 : i32
    %dma_wait3A_35 = arith.constant 0 : i32
    %dma_wait3A_36 = arith.constant 0 : i32
    %dma_wait3A_37 = tpu.memref_slice %arg7[%dma_wait3A_35, %dma_wait3A_36] : memref<40x128xi32, #tpu.memory_space<vmem>> -> memref<1x128xi32, #tpu.memory_space<vmem>>
    %dma_wait3A_38 = tpu.memref_squeeze %dma_wait3A_37 : memref<1x128xi32, #tpu.memory_space<vmem>> -> memref<128xi32, #tpu.memory_space<vmem>>
    %dma_wait3A_39 = arith.constant 0 : i32
    %dma_wait3A_40 = arith.constant 0 : i32
    %dma_wait3A_41 = tpu.memref_slice %arg2[%dma_wait3A_39, %dma_wait3A_40] : memref<10000x128xf32, #tpu.memory_space<hbm>> -> memref<10000x128xf32, #tpu.memory_space<hbm>>
    tpu.wait_indirect_dma semaphore(%arg12 : memref<!tpu.dma_semaphore, #tpu.memory_space<semaphore_mem>>) src(%dma_wait3A_41 : memref<10000x128xf32, #tpu.memory_space<hbm>>) dst(%arg9 : memref<128x128xf32, #tpu.memory_space<vmem>>)
    %barrier3A_42 = arith.constant 0 : index
    tpu.barrier barrier_id(%barrier3A_42)
    %mul3A_43 = arith.constant 640 : i32
    %mul3A_44 = arith.muli %arg1, %mul3A_43 : i32
    %mul3A_45 = arith.constant 640 : i32
    %mul3A_46 = arith.muli %arg1, %mul3A_45 : i32
    "tpu.region"() ({
      %run_scoped3A = tpu.sem_alloc : memref<!tpu.dma_semaphore, #tpu.memory_space<semaphore_mem>>
      %dma_start3A_47 = arith.constant 0 : i32
      %dma_start3A_48 = tpu.memref_slice %arg6[%arg0, %mul3A_46, %dma_start3A_47] : memref<2x10240x128xf32, #tpu.memory_space<hbm>> -> memref<1x640x128xf32, #tpu.memory_space<hbm>>
      %dma_start3A_49 = tpu.memref_squeeze %dma_start3A_48 : memref<1x640x128xf32, #tpu.memory_space<hbm>> -> memref<640x128xf32, #tpu.memory_space<hbm>>
      %dma_start3A_50 = arith.constant 0 : i32
      %dma_start3A_51 = tpu.memref_slice %arg11[%mul3A_44, %dma_start3A_50] : memref<10240x128xf32, #tpu.memory_space<vmem_shared>> -> memref<640x128xf32, #tpu.memory_space<vmem_shared>>
      tpu.enqueue_dma source(%dma_start3A_51 : memref<640x128xf32, #tpu.memory_space<vmem_shared>>) target(%dma_start3A_49 : memref<640x128xf32, #tpu.memory_space<hbm>>) target_semaphore(%run_scoped3A : memref<!tpu.dma_semaphore, #tpu.memory_space<semaphore_mem>>)
      %dma_wait3A_52 = arith.constant 0 : i32
      %dma_wait3A_53 = tpu.memref_slice %arg6[%arg0, %mul3A_46, %dma_wait3A_52] : memref<2x10240x128xf32, #tpu.memory_space<hbm>> -> memref<1x640x128xf32, #tpu.memory_space<hbm>>
      %dma_wait3A_54 = tpu.memref_squeeze %dma_wait3A_53 : memref<1x640x128xf32, #tpu.memory_space<hbm>> -> memref<640x128xf32, #tpu.memory_space<hbm>>
      %dma_wait3A_55 = arith.constant 0 : i32
      %dma_wait3A_56 = tpu.memref_slice %arg11[%mul3A_44, %dma_wait3A_55] : memref<10240x128xf32, #tpu.memory_space<vmem_shared>> -> memref<640x128xf32, #tpu.memory_space<vmem_shared>>
      tpu.wait_dma2 semaphore(%run_scoped3A : memref<!tpu.dma_semaphore, #tpu.memory_space<semaphore_mem>>) src(%dma_wait3A_56 : memref<640x128xf32, #tpu.memory_space<vmem_shared>>) dst(%dma_wait3A_54 : memref<640x128xf32, #tpu.memory_space<hbm>>)
      tpu.yield
    }) : () -> ()
    return
  }
}

module attributes {stable_mosaic.version = 14 : i64} {
  func.func @body(%arg0: memref<10000x128xf32, #tpu.memory_space<vmem>>, %arg1: memref<2x10240x128xf32, #tpu.memory_space<vmem>>, %arg2: memref<128x64xf32, #tpu.memory_space<vmem>>, %arg3: memref<1x64xf32, #tpu.memory_space<vmem>>, %arg4: memref<64x64xf32, #tpu.memory_space<vmem>>, %arg5: memref<1x64xf32, #tpu.memory_space<vmem>>, %arg6: memref<1x64xf32, #tpu.memory_space<vmem>>, %arg7: memref<1x64xf32, #tpu.memory_space<vmem>>, %arg8: memref<10000x64xf32, #tpu.memory_space<vmem>>) attributes {dimension_semantics = [], scalar_prefetch = 0 : i64, scratch_operands = 0 : i64, tpu.core_type = #tpu.core_type<tc>} {
    %get3A = arith.constant 0 : index
    %get3A_0 = arith.constant 0 : index
    %get3A_1 = vector.load %arg0[%get3A, %get3A_0] : memref<10000x128xf32, #tpu.memory_space<vmem>>, vector<10000x128xf32>
    %get3A_2 = arith.constant 0 : index
    %get3A_3 = arith.constant 0 : index
    %get3A_4 = arith.constant 0 : index
    %get3A_5 = vector.load %arg1[%get3A_2, %get3A_3, %get3A_4] : memref<2x10240x128xf32, #tpu.memory_space<vmem>>, vector<1x10000x128xf32>
    %get3A_6 = vector.shape_cast %get3A_5 : vector<1x10000x128xf32> to vector<10000x128xf32>
    %add3A = arith.addf %get3A_1, %get3A_6 : vector<10000x128xf32>
    %get3A_7 = arith.constant 1 : index
    %get3A_8 = arith.constant 0 : index
    %get3A_9 = arith.constant 0 : index
    %get3A_10 = vector.load %arg1[%get3A_7, %get3A_8, %get3A_9] : memref<2x10240x128xf32, #tpu.memory_space<vmem>>, vector<1x10000x128xf32>
    %get3A_11 = vector.shape_cast %get3A_10 : vector<1x10000x128xf32> to vector<10000x128xf32>
    %add3A_12 = arith.addf %add3A, %get3A_11 : vector<10000x128xf32>
    %get3A_13 = arith.constant 0 : index
    %get3A_14 = arith.constant 0 : index
    %get3A_15 = vector.load %arg2[%get3A_13, %get3A_14] : memref<128x64xf32, #tpu.memory_space<vmem>>, vector<128x64xf32>
    %get3A_16 = arith.constant 0 : index
    %get3A_17 = arith.constant 0 : index
    %get3A_18 = vector.load %arg3[%get3A_16, %get3A_17] : memref<1x64xf32, #tpu.memory_space<vmem>>, vector<1x64xf32>
    %get3A_19 = arith.constant 0 : index
    %get3A_20 = arith.constant 0 : index
    %get3A_21 = vector.load %arg4[%get3A_19, %get3A_20] : memref<64x64xf32, #tpu.memory_space<vmem>>, vector<64x64xf32>
    %get3A_22 = arith.constant 0 : index
    %get3A_23 = arith.constant 0 : index
    %get3A_24 = vector.load %arg5[%get3A_22, %get3A_23] : memref<1x64xf32, #tpu.memory_space<vmem>>, vector<1x64xf32>
    %get3A_25 = arith.constant 0 : index
    %get3A_26 = arith.constant 0 : index
    %get3A_27 = vector.load %arg6[%get3A_25, %get3A_26] : memref<1x64xf32, #tpu.memory_space<vmem>>, vector<1x64xf32>
    %get3A_28 = arith.constant 0 : index
    %get3A_29 = arith.constant 0 : index
    %get3A_30 = vector.load %arg7[%get3A_28, %get3A_29] : memref<1x64xf32, #tpu.memory_space<vmem>>, vector<1x64xf32>
    %dot_general3A = arith.constant dense<0.000000e+00> : vector<10000x64xf32>
    %dot_general3A_31 = tpu.matmul %add3A_12, %get3A_15, %dot_general3A {dimension_numbers = #tpu.dot_dimension_numbers<[1], [0], [0], [1], [0, 0, 1, 1], [], []>, transpose_lhs_hint = false} : vector<10000x128xf32>, vector<128x64xf32>, vector<10000x64xf32> -> vector<10000x64xf32>
    %add3A_32 = vector.broadcast %get3A_18 : vector<1x64xf32> to vector<10000x64xf32>
    %add3A_33 = arith.addf %dot_general3A_31, %add3A_32 : vector<10000x64xf32>
    %max3A = arith.constant 0.000000e+00 : f32
    %max3A_34 = vector.broadcast %max3A : f32 to vector<10000x64xf32>
    %max3A_35 = arith.maximumf %add3A_33, %max3A_34 : vector<10000x64xf32>
    %dot_general3A_36 = arith.constant dense<0.000000e+00> : vector<10000x64xf32>
    %dot_general3A_37 = tpu.matmul %max3A_35, %get3A_21, %dot_general3A_36 {dimension_numbers = #tpu.dot_dimension_numbers<[1], [0], [0], [1], [0, 0, 1, 1], [], []>, transpose_lhs_hint = false} : vector<10000x64xf32>, vector<64x64xf32>, vector<10000x64xf32> -> vector<10000x64xf32>
    %add3A_38 = vector.broadcast %get3A_24 : vector<1x64xf32> to vector<10000x64xf32>
    %add3A_39 = arith.addf %dot_general3A_37, %add3A_38 : vector<10000x64xf32>
    %reduce_sum3A = arith.constant dense<0.000000e+00> : vector<64xf32>
    %reduce_sum3A_40 = vector.multi_reduction <add>, %add3A_39, %reduce_sum3A [0] : vector<10000x64xf32> to vector<64xf32>
    %broadcast_in_dim3A = vector.shape_cast %reduce_sum3A_40 : vector<64xf32> to vector<1x64xf32>
    %div3A = arith.constant 1.000000e+04 : f32
    %div3A_41 = vector.broadcast %div3A : f32 to vector<1x64xf32>
    %div3A_42 = arith.divf %broadcast_in_dim3A, %div3A_41 : vector<1x64xf32>
    %sub3A = vector.broadcast %div3A_42 : vector<1x64xf32> to vector<10000x64xf32>
    %sub3A_43 = arith.subf %add3A_39, %sub3A : vector<10000x64xf32>
    %sub3A_44 = vector.broadcast %div3A_42 : vector<1x64xf32> to vector<10000x64xf32>
    %sub3A_45 = arith.subf %add3A_39, %sub3A_44 : vector<10000x64xf32>
    %mul3A = arith.mulf %sub3A_43, %sub3A_45 : vector<10000x64xf32>
    %reduce_sum3A_46 = arith.constant dense<0.000000e+00> : vector<64xf32>
    %reduce_sum3A_47 = vector.multi_reduction <add>, %mul3A, %reduce_sum3A_46 [0] : vector<10000x64xf32> to vector<64xf32>
    %broadcast_in_dim3A_48 = vector.shape_cast %reduce_sum3A_47 : vector<64xf32> to vector<1x64xf32>
    %div3A_49 = arith.constant 1.000000e+04 : f32
    %div3A_50 = vector.broadcast %div3A_49 : f32 to vector<1x64xf32>
    %div3A_51 = arith.divf %broadcast_in_dim3A_48, %div3A_50 : vector<1x64xf32>
    %sub3A_52 = vector.broadcast %div3A_42 : vector<1x64xf32> to vector<10000x64xf32>
    %sub3A_53 = arith.subf %add3A_39, %sub3A_52 : vector<10000x64xf32>
    %add3A_54 = arith.constant 9.99999974E-6 : f32
    %add3A_55 = vector.broadcast %add3A_54 : f32 to vector<1x64xf32>
    %add3A_56 = arith.addf %div3A_51, %add3A_55 : vector<1x64xf32>
    %sqrt3A = math.sqrt %add3A_56 : vector<1x64xf32>
    %div3A_57 = vector.broadcast %sqrt3A : vector<1x64xf32> to vector<10000x64xf32>
    %div3A_58 = arith.divf %sub3A_53, %div3A_57 : vector<10000x64xf32>
    %mul3A_59 = vector.broadcast %get3A_27 : vector<1x64xf32> to vector<10000x64xf32>
    %mul3A_60 = arith.mulf %div3A_58, %mul3A_59 : vector<10000x64xf32>
    %add3A_61 = vector.broadcast %get3A_30 : vector<1x64xf32> to vector<10000x64xf32>
    %add3A_62 = arith.addf %mul3A_60, %add3A_61 : vector<10000x64xf32>
    %max3A_63 = arith.constant 0.000000e+00 : f32
    %max3A_64 = vector.broadcast %max3A_63 : f32 to vector<10000x64xf32>
    %max3A_65 = arith.maximumf %add3A_62, %max3A_64 : vector<10000x64xf32>
    %swap3A = arith.constant 0 : index
    %swap3A_66 = arith.constant 0 : index
    %swap3A_67 = vector.load %arg8[%swap3A, %swap3A_66] : memref<10000x64xf32, #tpu.memory_space<vmem>>, vector<10000x64xf32>
    tpu.vector_store %arg8[%swap3A, %swap3A_66], %max3A_65 {strides = array<i32>} : memref<10000x64xf32, #tpu.memory_space<vmem>>, vector<10000x64xf32>,
    return
  }
}

module attributes {stable_mosaic.version = 14 : i64} {
  func.func @body(%arg0: memref<10000x64xf32, #tpu.memory_space<vmem>>, %arg1: memref<2x10240x64xf32, #tpu.memory_space<vmem>>, %arg2: memref<1x10000xi32, #tpu.memory_space<vmem>>, %arg3: memref<64x64xf32, #tpu.memory_space<vmem>>, %arg4: memref<1x64xf32, #tpu.memory_space<vmem>>, %arg5: memref<64x64xf32, #tpu.memory_space<vmem>>, %arg6: memref<1x64xf32, #tpu.memory_space<vmem>>, %arg7: memref<1x64xf32, #tpu.memory_space<vmem>>, %arg8: memref<1x64xf32, #tpu.memory_space<vmem>>, %arg9: memref<64x64xf32, #tpu.memory_space<vmem>>) attributes {dimension_semantics = [], scalar_prefetch = 0 : i64, scratch_operands = 0 : i64, tpu.core_type = #tpu.core_type<tc>} {
    %get3A = arith.constant 0 : index
    %get3A_0 = arith.constant 0 : index
    %get3A_1 = vector.load %arg0[%get3A, %get3A_0] : memref<10000x64xf32, #tpu.memory_space<vmem>>, vector<10000x64xf32>
    %get3A_2 = arith.constant 0 : index
    %get3A_3 = arith.constant 0 : index
    %get3A_4 = arith.constant 0 : index
    %get3A_5 = vector.load %arg1[%get3A_2, %get3A_3, %get3A_4] : memref<2x10240x64xf32, #tpu.memory_space<vmem>>, vector<1x10000x64xf32>
    %get3A_6 = vector.shape_cast %get3A_5 : vector<1x10000x64xf32> to vector<10000x64xf32>
    %add3A = arith.addf %get3A_1, %get3A_6 : vector<10000x64xf32>
    %get3A_7 = arith.constant 1 : index
    %get3A_8 = arith.constant 0 : index
    %get3A_9 = arith.constant 0 : index
    %get3A_10 = vector.load %arg1[%get3A_7, %get3A_8, %get3A_9] : memref<2x10240x64xf32, #tpu.memory_space<vmem>>, vector<1x10000x64xf32>
    %get3A_11 = vector.shape_cast %get3A_10 : vector<1x10000x64xf32> to vector<10000x64xf32>
    %add3A_12 = arith.addf %add3A, %get3A_11 : vector<10000x64xf32>
    %get3A_13 = arith.constant 0 : index
    %get3A_14 = arith.constant 0 : index
    %get3A_15 = vector.load %arg3[%get3A_13, %get3A_14] : memref<64x64xf32, #tpu.memory_space<vmem>>, vector<64x64xf32>
    %get3A_16 = arith.constant 0 : index
    %get3A_17 = arith.constant 0 : index
    %get3A_18 = vector.load %arg4[%get3A_16, %get3A_17] : memref<1x64xf32, #tpu.memory_space<vmem>>, vector<1x64xf32>
    %get3A_19 = arith.constant 0 : index
    %get3A_20 = arith.constant 0 : index
    %get3A_21 = vector.load %arg5[%get3A_19, %get3A_20] : memref<64x64xf32, #tpu.memory_space<vmem>>, vector<64x64xf32>
    %get3A_22 = arith.constant 0 : index
    %get3A_23 = arith.constant 0 : index
    %get3A_24 = vector.load %arg6[%get3A_22, %get3A_23] : memref<1x64xf32, #tpu.memory_space<vmem>>, vector<1x64xf32>
    %get3A_25 = arith.constant 0 : index
    %get3A_26 = arith.constant 0 : index
    %get3A_27 = vector.load %arg7[%get3A_25, %get3A_26] : memref<1x64xf32, #tpu.memory_space<vmem>>, vector<1x64xf32>
    %get3A_28 = arith.constant 0 : index
    %get3A_29 = arith.constant 0 : index
    %get3A_30 = vector.load %arg8[%get3A_28, %get3A_29] : memref<1x64xf32, #tpu.memory_space<vmem>>, vector<1x64xf32>
    %dot_general3A = arith.constant dense<0.000000e+00> : vector<10000x64xf32>
    %dot_general3A_31 = tpu.matmul %add3A_12, %get3A_15, %dot_general3A {dimension_numbers = #tpu.dot_dimension_numbers<[1], [0], [0], [1], [0, 0, 1, 1], [], []>, transpose_lhs_hint = false} : vector<10000x64xf32>, vector<64x64xf32>, vector<10000x64xf32> -> vector<10000x64xf32>
    %add3A_32 = vector.broadcast %get3A_18 : vector<1x64xf32> to vector<10000x64xf32>
    %add3A_33 = arith.addf %dot_general3A_31, %add3A_32 : vector<10000x64xf32>
    %max3A = arith.constant 0.000000e+00 : f32
    %max3A_34 = vector.broadcast %max3A : f32 to vector<10000x64xf32>
    %max3A_35 = arith.maximumf %add3A_33, %max3A_34 : vector<10000x64xf32>
    %dot_general3A_36 = arith.constant dense<0.000000e+00> : vector<10000x64xf32>
    %dot_general3A_37 = tpu.matmul %max3A_35, %get3A_21, %dot_general3A_36 {dimension_numbers = #tpu.dot_dimension_numbers<[1], [0], [0], [1], [0, 0, 1, 1], [], []>, transpose_lhs_hint = false} : vector<10000x64xf32>, vector<64x64xf32>, vector<10000x64xf32> -> vector<10000x64xf32>
    %add3A_38 = vector.broadcast %get3A_24 : vector<1x64xf32> to vector<10000x64xf32>
    %add3A_39 = arith.addf %dot_general3A_37, %add3A_38 : vector<10000x64xf32>
    %reduce_sum3A = arith.constant dense<0.000000e+00> : vector<64xf32>
    %reduce_sum3A_40 = vector.multi_reduction <add>, %add3A_39, %reduce_sum3A [0] : vector<10000x64xf32> to vector<64xf32>
    %broadcast_in_dim3A = vector.shape_cast %reduce_sum3A_40 : vector<64xf32> to vector<1x64xf32>
    %div3A = arith.constant 1.000000e+04 : f32
    %div3A_41 = vector.broadcast %div3A : f32 to vector<1x64xf32>
    %div3A_42 = arith.divf %broadcast_in_dim3A, %div3A_41 : vector<1x64xf32>
    %sub3A = vector.broadcast %div3A_42 : vector<1x64xf32> to vector<10000x64xf32>
    %sub3A_43 = arith.subf %add3A_39, %sub3A : vector<10000x64xf32>
    %sub3A_44 = vector.broadcast %div3A_42 : vector<1x64xf32> to vector<10000x64xf32>
    %sub3A_45 = arith.subf %add3A_39, %sub3A_44 : vector<10000x64xf32>
    %mul3A = arith.mulf %sub3A_43, %sub3A_45 : vector<10000x64xf32>
    %reduce_sum3A_46 = arith.constant dense<0.000000e+00> : vector<64xf32>
    %reduce_sum3A_47 = vector.multi_reduction <add>, %mul3A, %reduce_sum3A_46 [0] : vector<10000x64xf32> to vector<64xf32>
    %broadcast_in_dim3A_48 = vector.shape_cast %reduce_sum3A_47 : vector<64xf32> to vector<1x64xf32>
    %div3A_49 = arith.constant 1.000000e+04 : f32
    %div3A_50 = vector.broadcast %div3A_49 : f32 to vector<1x64xf32>
    %div3A_51 = arith.divf %broadcast_in_dim3A_48, %div3A_50 : vector<1x64xf32>
    %sub3A_52 = vector.broadcast %div3A_42 : vector<1x64xf32> to vector<10000x64xf32>
    %sub3A_53 = arith.subf %add3A_39, %sub3A_52 : vector<10000x64xf32>
    %add3A_54 = arith.constant 9.99999974E-6 : f32
    %add3A_55 = vector.broadcast %add3A_54 : f32 to vector<1x64xf32>
    %add3A_56 = arith.addf %div3A_51, %add3A_55 : vector<1x64xf32>
    %sqrt3A = math.sqrt %add3A_56 : vector<1x64xf32>
    %div3A_57 = vector.broadcast %sqrt3A : vector<1x64xf32> to vector<10000x64xf32>
    %div3A_58 = arith.divf %sub3A_53, %div3A_57 : vector<10000x64xf32>
    %mul3A_59 = vector.broadcast %get3A_27 : vector<1x64xf32> to vector<10000x64xf32>
    %mul3A_60 = arith.mulf %div3A_58, %mul3A_59 : vector<10000x64xf32>
    %add3A_61 = vector.broadcast %get3A_30 : vector<1x64xf32> to vector<10000x64xf32>
    %add3A_62 = arith.addf %mul3A_60, %add3A_61 : vector<10000x64xf32>
    %max3A_63 = arith.constant 0.000000e+00 : f32
    %max3A_64 = vector.broadcast %max3A_63 : f32 to vector<10000x64xf32>
    %max3A_65 = arith.maximumf %add3A_62, %max3A_64 : vector<10000x64xf32>
    %iota3A = tpu.iota {dimensions = array<i32: 0>} : vector<64x10000xi32>
    %get3A_66 = arith.constant 0 : index
    %get3A_67 = arith.constant 0 : index
    %get3A_68 = vector.load %arg2[%get3A_66, %get3A_67] : memref<1x10000xi32, #tpu.memory_space<vmem>>, vector<1x10000xi32>
    %eq3A = vector.broadcast %get3A_68 : vector<1x10000xi32> to vector<64x10000xi32>
    %eq3A_69 = arith.cmpi eq, %iota3A, %eq3A : vector<64x10000xi32>
    %convert_element_type3A = arith.extui %eq3A_69 : vector<64x10000xi1> to vector<64x10000xi32>
    %convert_element_type3A_70 = arith.sitofp %convert_element_type3A : vector<64x10000xi32> to vector<64x10000xf32>
    %dot_general3A_71 = arith.constant dense<0.000000e+00> : vector<64x64xf32>
    %dot_general3A_72 = tpu.matmul %convert_element_type3A_70, %max3A_65, %dot_general3A_71 {dimension_numbers = #tpu.dot_dimension_numbers<[1], [0], [0], [1], [0, 0, 1, 1], [], []>, transpose_lhs_hint = false} : vector<64x10000xf32>, vector<10000x64xf32>, vector<64x64xf32> -> vector<64x64xf32>
    %reduce_sum3A_73 = arith.constant dense<0.000000e+00> : vector<64xf32>
    %reduce_sum3A_74 = vector.multi_reduction <add>, %convert_element_type3A_70, %reduce_sum3A_73 [1] : vector<64x10000xf32> to vector<64xf32>
    %broadcast_in_dim3A_75 = vector.shape_cast %reduce_sum3A_74 : vector<64xf32> to vector<64x1xf32>
    %max3A_76 = arith.constant 1.000000e+00 : f32
    %max3A_77 = vector.broadcast %max3A_76 : f32 to vector<64x1xf32>
    %max3A_78 = arith.maximumf %broadcast_in_dim3A_75, %max3A_77 : vector<64x1xf32>
    %div3A_79 = vector.broadcast %max3A_78 : vector<64x1xf32> to vector<64x64xf32>
    %div3A_80 = arith.divf %dot_general3A_72, %div3A_79 : vector<64x64xf32>
    %swap3A = arith.constant 0 : index
    %swap3A_81 = arith.constant 0 : index
    %swap3A_82 = vector.load %arg9[%swap3A, %swap3A_81] : memref<64x64xf32, #tpu.memory_space<vmem>>, vector<64x64xf32>
    tpu.vector_store %arg9[%swap3A, %swap3A_81], %div3A_80 {strides = array<i32>} : memref<64x64xf32, #tpu.memory_space<vmem>>, vector<64x64xf32>,
    return
  }
}

</mosaic_0001>

<sc_bundles>
// kernel: kernel.6.cloned.1.call-start
scs
__scs_entry_jumppad:
0x0: {  	(pc) =	sbr.rel $0x88, $3  }
0x1: {  	(tag) =	ssettag $0x0;
	lr =	simm.s32 $0x1  }
0x2: {  	[smem:$0x3F92] =	sst lr;
	_ =	strace $0xD0000000  }
0x3: {  	_ = 	snop  }
0x4: {  	_ = 	snop  }
0x5: {  	_ = 	snop  }
0x6: {  	_ = 	snop  }
0x7: {  	_ = 	snop  }
__scs_overlays_trampoline_lowered:
0x8: {  	[smem:$0x3FA1] =	sst s0  }
0x9: {  	[smem:$0x3FA2] =	sst s1  }
0xa: {  	[smem:$0x3FA3] =	sst s2  }
0xb: {  	[smem:$0x3FA4] =	sst s3  }
0xc: {  	[smem:$0x3FA5] =	sst s4  }
0xd: {  	[smem:$0x3FA6] =	sst s5  }
0xe: {  	[smem:$0x3FA7] =	sst s6  }
0xf: {  	[smem:$0x3FA8] =	sst s7  }
0x10: {  	[smem:$0x3FA9] =	sst s8  }
0x11: {  	[smem:$0x3FAA] =	sst s9;
	s0 =	simm.s32 @!p0 $0x0  }
0x12: {  	s1 =	sld [smem:$0x3F90];
	s0 =	simm.s32 @p0 $0x1  }
0x13: {  	[smem:$0x3FAB] =	sst s0;
	s0 =	simm.s32 @!p1 $0x0  }
0x14: {  	s2 =	sld [smem:$0x3F8F];
	s0 =	simm.s32 @p1 $0x1  }
0x15: {  	[smem:$0x3FAC] =	sst s0;
	s0 =	simm.s32 @!p2 $0x0  }
0x16: {  	s3 =	sld [smem:$0x3FDB];
	s0 =	simm.s32 @p2 $0x1  }
0x17: {  	s4 =	simm.s32 $0x1BF5;
	[smem:$0x3FAE] =	sst s0  }
0x18: {  	s0 =	sld [smem:$0x3F91];
	_ =	swait.ge [sflag:s4], $0x0  }
0x19: {  	s7 =	sld [smem:$0x3F92]  }
0x1a: {  	s8 =	sadd.s32 $0xFFFFE003, lr  }
0x1b: {  	s9 =	sadd.s32 $0xFFFFFEF7, lr;
	s5 =	simm.s32 $0xFFFFFFFF;
	p2 =	slt.u32 s8, $0xFFFFF086  }
0x1c: {  	p1 =	slt.u32 s9, $0xF7A;
	s5 =	simm.s32 @!p2 $0x0  }
0x1d: {  	s5 =	simm.s32 @p1 $0x1;
	p0 =	seq.s32 s7, s2  }
0x1e: {  	s7 =	smul.u32 @!p0 $0xF7A, s2;
	p2 =	seq.s32 @!p0 s5, $0x0  }
0x1f: {  	s9 =	smul.u32 $0xF7A, s1;
	s8 =	simm.s32 @!p0 $0x1BF5;
	p2 =	por !p2, p0  }
0x20: {  	[sflag:s8] =	ssyncset.s32 @!p0 $0xFFFFF086;
	s6 =	sadd.s32 @!p0 s3, s7;
	s7 =	simm.s32 @!p0 $0x108  }
0x21: {  	s3 =	sadd.s32 s3, s9;
	s6 =	sadd.s32 @!p0 $0x88, s6;
	s7 =	simm.s32 @p2 $0x1082  }
0x22: {  	[simem:s7], [sflag:s8] =	dma.local @!p0 [hbm:s6], $0xF7A  }
0x23: {  	s9 =	sor.u32 $0xD0000000, s2;
	s6 =	simm.s32 $0x108;
	_ =	swait.ge @!p0 [sflag:s8], $0x0  }
0x24: {  	s3 =	sadd.s32 $0x88, s3;
	s6 =	simm.s32 @!p1 $0x1082;
	[sflag:s4] =	ssyncset.s32 $0xFFFFF086  }
0x25: {  	[simem:s6], [sflag:s4] =	dma.local [hbm:s3], $0xF7A  }
0x26: {  	[smem:$0x3F92] =	sst s1;
	(tag) =	ssettag s2;
	_ =	strace s9  }
0x27: {  	s1 =	sld [smem:$0x3FA2]  }
0x28: {  	s2 =	sld [smem:$0x3FA3]  }
0x29: {  	s4 =	sld [smem:$0x3FA5]  }
0x2a: {  	p0 =	seq.s32 s5, $0x0;
	s5 =	sld [smem:$0x3FA6]  }
0x2b: {  	s6 =	sld [smem:$0x3FA7]  }
0x2c: {  	s7 =	sld [smem:$0x3FA8]  }
0x2d: {  	s3 =	simm.s32 $0x108;
	s8 =	sld [smem:$0x3FA9]  }
0x2e: {  	s3 =	simm.s32 @!p0 $0x1082;
	s9 =	sld [smem:$0x3FAA]  }
0x2f: {  	lr =	sadd.s32 s0, s3;
	s0 =	sld [smem:$0x3FA1]  }
0x30: {  	s3 =	sld [smem:$0x3FA4]  }
0x31: {  	[smem:$0x3FAD] =	sst s10  }
0x32: {  	s10 =	sld [smem:$0x3FAB];
	_ =	sdelay $0x3  }
0x33: {  	p0 =	seq.s32 s10, $0x1;
	s10 =	sld [smem:$0x3FAD];
	_ =	sdelay $0x3  }
0x34: {  	[smem:$0x3FAD] =	sst s10  }
0x35: {  	s10 =	sld [smem:$0x3FAC];
	_ =	sdelay $0x3  }
0x36: {  	p1 =	seq.s32 s10, $0x1;
	s10 =	sld [smem:$0x3FAD];
	_ =	sdelay $0x3  }
0x37: {  	[smem:$0x3FAD] =	sst s10  }
0x38: {  	s10 =	sld [smem:$0x3FAE]  }
0x39: {  	_ = 	snop;
	(pc) =	sbr.ind lr, $3  }
0x3a: {  	_ = 	snop  }
0x3b: {  	_ = 	snop  }
0x3c: {  	p2 =	seq.s32 s10, $0x1;
	s10 =	sld [smem:$0x3FAD]  }
0x3d: {  	_ =	shalt  }
0x3e: {  	_ =	shalt  }
0x3f: {  	_ =	shalt  }
0x40: {  	_ =	shalt  }
0x41: {  	_ =	shalt  }
0x42: {  	_ =	shalt  }
0x43: {  	_ =	shalt  }
0x44: {  	_ =	shalt  }
0x45: {  	_ =	shalt  }
0x46: {  	_ =	shalt  }
0x47: {  	_ =	shalt  }
0x48: {  	_ =	shalt  }
0x49: {  	_ =	shalt  }
0x4a: {  	_ =	shalt  }
0x4b: {  	_ =	shalt  }
0x4c: {  	_ =	shalt  }
0x4d: {  	_ =	shalt  }
0x4e: {  	_ =	shalt  }
0x4f: {  	_ =	shalt  }
0x50: {  	_ =	shalt  }
0x51: {  	_ =	shalt  }
0x52: {  	_ =	shalt  }
0x53: {  	_ =	shalt  }
0x54: {  	_ =	shalt  }
0x55: {  	_ =	shalt  }
0x56: {  	_ =	shalt  }
0x57: {  	_ =	shalt  }
0x58: {  	_ =	shalt  }
0x59: {  	_ =	shalt  }
0x5a: {  	_ =	shalt  }
0x5b: {  	_ =	shalt  }
0x5c: {  	_ =	shalt  }
0x5d: {  	_ =	shalt  }
0x5e: {  	_ =	shalt  }
0x5f: {  	_ =	shalt  }
0x60: {  	_ =	shalt  }
0x61: {  	_ =	shalt  }
0x62: {  	_ =	shalt  }
0x63: {  	_ =	shalt  }
0x64: {  	_ =	shalt  }
0x65: {  	_ =	shalt  }
0x66: {  	_ =	shalt  }
0x67: {  	_ =	shalt  }
0x68: {  	_ =	shalt  }
0x69: {  	_ =	shalt  }
0x6a: {  	_ =	shalt  }
0x6b: {  	_ =	shalt  }
0x6c: {  	_ =	shalt  }
0x6d: {  	_ =	shalt  }
0x6e: {  	_ =	shalt  }
0x6f: {  	_ =	shalt  }
0x70: {  	_ =	shalt  }
0x71: {  	_ =	shalt  }
0x72: {  	_ =	shalt  }
0x73: {  	_ =	shalt  }
0x74: {  	_ =	shalt  }
0x75: {  	_ =	shalt  }
0x76: {  	_ =	shalt  }
0x77: {  	_ =	shalt  }
0x78: {  	_ =	shalt  }
0x79: {  	_ =	shalt  }
0x7a: {  	_ =	shalt  }
0x7b: {  	_ =	shalt  }
0x7c: {  	_ =	shalt  }
0x7d: {  	_ =	shalt  }
0x7e: {  	_ =	shalt  }
0x7f: {  	_ =	shalt  }
0x80: {  	_ =	shalt  }
0x81: {  	_ =	shalt  }
0x82: {  	_ =	shalt  }
0x83: {  	_ =	shalt  }
0x84: {  	_ =	shalt  }
0x85: {  	_ =	shalt  }
0x86: {  	_ =	shalt  }
0x87: {  	_ =	shalt  }
.Lfunc_end0:
.L_simem_size_0:
called_computation_lowered:
.L_overlay_start_0:
0x88: {  	s2 =	sld [smem:$0x3FD9]  }
0x89: {  	s3 =	sld [smem:$0x3FFE];
	_ =	sdelay $0x1  }
0x8a: {  	s1 =	srdreg.scid  }
0x8b: {  	s0 =	sand.u32 $0x1, s1  }
0x8c: {  	s17 =	sshll.u32 s0, $0xA;
	s2 =	sadd.s32 s3, s2  }
0x8d: {  	s2 =	sadd.s32 s2, s17  }
0x8e: {  	[smem:$0x3FB9] =	sst s2  }
0x8f: {  	_ = 	snop  }
0x90: {  	s2 =	sld [smem:$0x3FC9];
	(tm) =	ssettm $0x1  }
0x91: {  	s18 =	sld [smem:$0x3FFB];
	_ =	sdelay $0x3  }
0x92: {  	_ =	strace s18  }
0x93: {  	s3 =	sld [smem:$0x3FFC];
	_ =	sdelay $0x3  }
0x94: {  	_ =	strace s3  }
0x95: {  	s3 =	sld [smem:$0x3FFD];
	_ =	sdelay $0x3  }
0x96: {  	_ =	strace s3  }
0x97: {  	_ =	strace $0x8FFFFFFF  }
0x98: {  	s19 =	sld [smem:$0x3FDB];
	_ =	sdelay $0x1  }
0x99: {  	s4 =	simm.s32 $_scs_section_size  }
0x9a: {  	s5 =	simm.s32 $_size__tile_overlayer_lowered;
	s6 =	simm.s32 $_tile_overlayer_lowered  }
0x9b: {  	s22 =	simm.s32 $0x1BFF;
	s21 =	sshll.u32 s6, $0x1;
	s3 =	sadd.s32 s4, s19  }
0x9c: {  	s7 =	simm.s32 $0x0;
	s20 =	sshll.u32 s5, $0x1;
	s5 =	sadd.s32 s21, s3  }
0x9d: {  	[timem:s7], [sflag:s22] =	dma.local [hbm:s5], s20  }
0x9e: {  	_ =	swait.ge [sflag:s22], s20  }
0x9f: {  	s4 =	ssub.s32 $0x0, s20;
	[sflag:s22] =	ssyncset.done $0x0  }
0xa0: {  	[sflag:s22] =	ssyncadd.s32 s4;
	_ =	sdelay $0x1  }
0xa1: {  	s23 =	simm.s32 $0x1B8B  }
0xa2: {  	_ =	swait.ge [sflag:s23], $0x1  }
0xa3: {  	[sflag:s23] =	ssyncset.done $0x0  }
0xa4: {  	s25 =	simm.s32 $0x1B8E;
	s24 =	sld [smem:$0x3FFE];
	[sflag:s23] =	ssyncadd.s32 $0xFFFFFFFF  }
0xa5: {  	s26 =	simm.s32 $execute0_lowered;
	[smem:$0x3FD2] =	sst s25  }
0xa6: {  	s5 =	sshll.u32 s26, $0x1;
	_ =	strace $0x80000046;
	[dreg:$0x1] =	wrdreg $0xFFFFFFFF  }
0xa7: {  	s28 =	simm.s32 $_size_execute0_lowered;
	s3 =	sadd.s32 s3, s5;
	[dreg:$0x0] =	wrdreg $0x0  }
0xa8: {  	s5 =	sshll.u32 s28, $0x1;
	[dreg:$0x2] =	wrdreg s3  }
0xa9: {  	[dreg:$0x3] =	wrdreg s5  }
0xaa: {  	[dreg:$0x4] =	wrdreg $0xC0  }
0xab: {  	_ =	task [dreg:s7], $0x5FFFF  }
0xac: {  	[dreg:$0x1] =	wrdreg $0xFFFFFFFF  }
0xad: {  	[dreg:$0x0] =	wrdreg $0x60  }
0xae: {  	[dreg:$0x2] =	wrdreg s2  }
0xaf: {  	[dreg:$0x3] =	wrdreg s24  }
0xb0: {  	[dreg:$0x4] =	wrdreg $0xA8000  }
0xb1: {  	[dreg:$0x5] =	wrdreg $0x9  }
0xb2: {  	_ =	task.clear_ibuf [dreg:s7], $0x6FFFF;
	_ =	strace $0x90000046  }
0xb3: {  	s29 =	simm.s32 $0x9;
	_ =	strace $0x80000048  }
0xb4: {  	_ =	swait.ge [sflag:s29], $0x1  }
0xb5: {  	[sflag:s29] =	ssyncadd.s32 $0xFFFFFFFF  }
0xb6: {  	_ =	strace $0x90000048  }
0xb7: {  	_ =	sfence  }
0xb8: {  	s30 =	sld [smem:$0x0];
	_ =	sdelay $0x2  }
0xb9: {  	s31 =	sshll.u32 s1, $0xD;
	s1 =	sshrl.u32 s1, $0x2  }
0xba: {  	s3 =	sand.u32 $0x4000, s31;
	s1 =	sadd.s32 s1, s30  }
0xbb: {  	s0 =	sor.u32 s3, s0;
	s1 =	sshll.u32 s1, $0x11  }
0xbc: {  	s0 =	sor.u32 s1, s0  }
0xbd: {  	s0 =	sadd.s32 $0x8F2B, s0  }
0xbe: {  	[sflag:s0] =	ssyncadd.remote.s32 $0x1  }
0xbf: {  	_ =	sfence.sel $0xFFFF  }
0xc0: {  	[dreg:$0x0] =	wrdreg $0xFFFFFFFF;
	(pc) =	sbr.abs _section_cstart, $3  }
0xc1: {  	[dreg:$0x1] =	wrdreg $0xFFFFFFFF  }
0xc2: {  	_ =	task.clear_ibuf [dreg:s7], $0x2FFFF;
	_ =	strace $0x9FFFFFFF  }
0xc3: {  	(tm) =	ssettm $0x7FFFFFFF  }
tec
execute0_lowered:
.L_overlay_start_1:
0x0: {  	(tag) =	ssettag $0x1  }
0x1: {  	s1 =	rddreg [dreg:$0x0]  }
0x2: {  	s5 =	rddreg [dreg:$0x1]  }
0x3: {  	s3 =	rddreg [dreg:$0x2]  }
0x4: {  	s0 =	rddreg [dreg:$0x3];
	s4 =	simm.s32 $0x0;
	s2 =	stileid.u32  }
0x5: {  	s6 =	srdreg.scid;
	s15 =	simm.s32 $0x1400;
	s16 =	simm.s32 $0x80  }
0x6: {  	s17 =	simm.s32 $0x2800;
	s18 =	simm.s32 $0x1;
	s19 =	simm.s32 $0x6800  }
0x7: {  	s20 =	simm.s32 $0x2;
	s21 =	simm.s32 $0x1380;
	s22 =	simm.s32 $0x2700  }
0x8: {  	s23 =	simm.s32 $0x2780;
	s24 =	simm.s32 $0x0;
	[smem:$0x7FF] =	sst s4  }
0x9: {  	s7 =	smul.u32 $0x14000, s2;
	s6 =	sand.u32 $0x1, s6;
	s9 =	sadd.s32 $0x2600, s5  }
0xa: {  	s10 =	sadd.s32 $0xC600, s5;
	s25 =	sshll.u32 s2, $0x1;
	s13 =	smul.u32 $0x50000, s2  }
0xb: {  	s29 =	sshll.u32 s2, $0x6;
	_ =	strace $0x80000047;
	s8 =	smul.u32 $0x140000, s6  }
0xc: {  	s12 =	ssub.s32 $0x2, s6;
	s6 =	sor.u32 s6, s25;
	s11 =	sshrl.u32 s7, $0x3  }
0xd: {  	s26 =	sshrl.u32 s12, $0x1;
	s6 =	smul.u32 $0x2800, s6;
	s28 =	sshrl.u32 s13, $0x2  }
0xe: {  	s11 =	sadd.s32 s11, s5;
	s7 =	sadd.s32 s7, s8;
	s12 =	ssub.s32 s12, s26  }
0xf: {  	s13 =	sadd.s32 s28, s3;
	s7 =	sshrl.u32 s7, $0x3;
	s30 =	sshrl.u32 s6, $0x3  }
0x10: {  	s6 =	sor.u32 $0x1C03, s29;
	s12 =	smax.u32 s12, $0x1;
	s13 =	sshrl.u32 s13, $0x3  }
0x11: {  	s14 =	sadd.s32 s7, s5;
	s5 =	sadd.s32 $0x16600, s11;
	s31 =	sadd.s32 $0x280, s30  }
0x12: {  	s7 =	sadd.s32 s9, s30;
	s8 =	sadd.s32 s10, s30;
	s9 =	sadd.s32 s9, s31  }
0x13: {  	s10 =	sadd.s32 s10, s31;
	s11 =	sadd.s32 $0x3E600, s14;
	s14 =	simm.s32 $0x3  }
.LBB2_1:
0x14: {  	[spmem:s13], [sflag:s6] =	dma.local [hbm:s5], $0x2800  }
0x15: {  	_ =	swait.ge [sflag:s14], $0x2800  }
0x16: {  	[sflag:s14] =	ssyncset.done $0x0  }
0x17: {  	[sflag:s14] =	ssyncadd.s32 $0xFFFFD800  }
0x18: {  	[bflag:$0x0] =	sbarrier.arrive $0xFFFF  }
0x19: {  	[tilespmem:s4], [sflag:$0x3] =	stream.linear.gather [hbm4b:s7+s4], $0x1400, $0x38;
	[tilespmem:$0x1E800] =	vst v63  }
0x1a: {  	_ =	swait.ge [sflag:s14], $0x1400  }
0x1b: {  	[sflag:s14] =	ssyncset.done $0x0  }
0x1c: {  	[sflag:s14] =	ssyncadd.s32 $0xFFFFEC00  }
0x1d: {  	[tilespmem:s15], [sflag:$0x3] =	stream.linear.gather [hbm4b:s8+s4], $0x1400, $0x38;
	[tilespmem:$0x1E800] =	vst v63  }
0x1e: {  	_ =	swait.ge [sflag:s14], $0x1400  }
0x1f: {  	[sflag:s14] =	ssyncset.done $0x0  }
0x20: {  	[sflag:s14] =	ssyncadd.s32 $0xFFFFEC00  }
0x21: {  	[tilespmem:s17], [sflag:$0x1] =	stream.indirect.gather [hbm4b:s1+s16], $0x80, s4, s16, $0xb8;
	[tilespmem:$0x1E800] =	vst v63  }
0x22: {  	_ =	swait.ge [sflag:s18], $0x4000  }
0x23: {  	[sflag:s18] =	ssyncset.done $0x0  }
0x24: {  	s25 =	simm.s32 $0x80;
	[sflag:s18] =	ssyncadd.s32 $0xFFFFC000  }
0x25: {  	[tilespmem:s19], [sflag:$0x2] =	stream.indirect.gather [hbm4b:s1+s16], $0x80, s25, s16, $0xb8;
	[tilespmem:$0x1E800] =	vst v63  }
0x26: {  	s29 =	simm.s32 $0x1400  }
0x27: {  	[spmem:s3] =	stream.indirect.scatter.add.f32 [tilespmem:s17], [sflag:$0x3], $0x80, s29, s16, $0xb8;
	[tilespmem:$0x1E800] =	vst v63  }
0x28: {  	_ =	swait.ge [sflag:s14], $0x4000  }
0x29: {  	[sflag:s14] =	ssyncset.done $0x0  }
0x2a: {  	[sflag:s14] =	ssyncadd.s32 $0xFFFFC000  }
0x2b: {  	_ =	swait.ge [sflag:s20], $0x4000  }
0x2c: {  	[sflag:s20] =	ssyncset.done $0x0  }
0x2d: {  	s30 =	simm.s32 $0x100;
	[sflag:s20] =	ssyncadd.s32 $0xFFFFC000  }
0x2e: {  	[tilespmem:s17], [sflag:$0x1] =	stream.indirect.gather [hbm4b:s1+s16], $0x80, s30, s16, $0xb8;
	[tilespmem:$0x1E800] =	vst v63  }
0x2f: {  	s31 =	simm.s32 $0x1480  }
0x30: {  	[spmem:s3] =	stream.indirect.scatter.add.f32 [tilespmem:s19], [sflag:$0x3], $0x80, s31, s16, $0xb8;
	[tilespmem:$0x1E800] =	vst v63  }
0x31: {  	_ =	swait.ge [sflag:s14], $0x4000  }
0x32: {  	s25 =	simm.s32 $0x400;
	[sflag:s14] =	ssyncset.done $0x0  }
.LBB2_2:
0x33: {  	p0 =	sne.s32 s25, $0x4800  }
0x34: {  	[sflag:s14] =	ssyncadd.s32 $0xFFFFC000;
	s26 =	smov.u32 s25;
	s25 =	sadd.s32 $0x400, s25  }
0x35: {  	_ = 	snop  }
0x36: {  	_ =	swait.ge [sflag:s18], $0x4000  }
0x37: {  	s26 =	sshra.s32 s26, $0x2;
	[sflag:s18] =	ssyncset.done $0x0  }
0x38: {  	s28 =	sadd.s32 $0x80, s26;
	[sflag:s18] =	ssyncadd.s32 $0xFFFFC000  }
0x39: {  	[tilespmem:s19], [sflag:$0x2] =	stream.indirect.gather [hbm4b:s1+s16], $0x80, s28, s16, $0xb8;
	[tilespmem:$0x1E800] =	vst v63  }
0x3a: {  	s28 =	sadd.s32 $0x1400, s26  }
0x3b: {  	[spmem:s3] =	stream.indirect.scatter.add.f32 [tilespmem:s17], [sflag:$0x3], $0x80, s28, s16, $0xb8;
	[tilespmem:$0x1E800] =	vst v63  }
0x3c: {  	_ =	swait.ge [sflag:s14], $0x4000  }
0x3d: {  	[sflag:s14] =	ssyncset.done $0x0  }
0x3e: {  	[sflag:s14] =	ssyncadd.s32 $0xFFFFC000  }
0x3f: {  	_ =	swait.ge [sflag:s20], $0x4000  }
0x40: {  	[sflag:s20] =	ssyncset.done $0x0  }
0x41: {  	s28 =	sadd.s32 $0x100, s26;
	[sflag:s20] =	ssyncadd.s32 $0xFFFFC000  }
0x42: {  	[tilespmem:s17], [sflag:$0x1] =	stream.indirect.gather [hbm4b:s1+s16], $0x80, s28, s16, $0xb8;
	[tilespmem:$0x1E800] =	vst v63  }
.Ltmp0:
0x43: {  	_ = 	snop;
	(pc) =	sbr.rel @p0 .LBB2_2-.Ltmp0, $4  }
0x44: {  	s26 =	sadd.s32 $0x1480, s26  }
0x45: {  	[spmem:s3] =	stream.indirect.scatter.add.f32 [tilespmem:s19], [sflag:$0x3], $0x80, s26, s16, $0xb8;
	[tilespmem:$0x1E800] =	vst v63  }
0x46: {  	_ =	swait.ge [sflag:s14], $0x4000  }
0x47: {  	[sflag:s14] =	ssyncset.done $0x0  }
0x48: {  	[sflag:s14] =	ssyncadd.s32 $0xFFFFC000  }
0x49: {  	_ =	swait.ge [sflag:s18], $0x4000  }
0x4a: {  	[sflag:s18] =	ssyncset.done $0x0  }
0x4b: {  	[sflag:s18] =	ssyncadd.s32 $0xFFFFC000  }
0x4c: {  	[tilespmem:s19], [sflag:$0x2] =	stream.indirect.gather [hbm4b:s1+s16], $0x80, s21, s16, $0xb8;
	[tilespmem:$0x1E800] =	vst v63  }
0x4d: {  	_ = 	snop  }
0x4e: {  	[spmem:s3] =	stream.indirect.scatter.add.f32 [tilespmem:s17], [sflag:$0x3], $0x80, s22, s16, $0xb8;
	[tilespmem:$0x1E800] =	vst v63  }
0x4f: {  	_ =	swait.ge [sflag:s14], $0x4000  }
0x50: {  	[sflag:s14] =	ssyncset.done $0x0  }
0x51: {  	[sflag:s14] =	ssyncadd.s32 $0xFFFFC000  }
0x52: {  	_ =	swait.ge [sflag:s20], $0x4000  }
0x53: {  	[sflag:s20] =	ssyncset.done $0x0  }
0x54: {  	[sflag:s20] =	ssyncadd.s32 $0xFFFFC000  }
0x55: {  	[tilespmem:s17], [sflag:$0x1] =	stream.indirect.gather [hbm4b:s1+s16], $0x80, s21, s16, $0xb8;
	[tilespmem:$0x1E800] =	vst v63  }
0x56: {  	_ = 	snop  }
0x57: {  	[spmem:s3] =	stream.indirect.scatter.add.f32 [tilespmem:s19], [sflag:$0x3], $0x80, s23, s16, $0xb8;
	[tilespmem:$0x1E800] =	vst v63  }
0x58: {  	_ =	swait.ge [sflag:s14], $0x4000  }
0x59: {  	[sflag:s14] =	ssyncset.done $0x0  }
0x5a: {  	[sflag:s14] =	ssyncadd.s32 $0xFFFFC000  }
0x5b: {  	_ =	swait.ge [sflag:s18], $0x4000  }
0x5c: {  	[sflag:s18] =	ssyncset.done $0x0  }
0x5d: {  	s25 =	simm.s32 $0x0;
	[sflag:s18] =	ssyncadd.s32 $0xFFFFC000  }
0x5e: {  	[tilespmem:s25], [sflag:$0x3] =	stream.linear.gather [hbm4b:s9+s25], $0x1400, $0x38;
	[tilespmem:$0x1E800] =	vst v63  }
0x5f: {  	_ =	swait.ge [sflag:s14], $0x1400  }
0x60: {  	[sflag:s14] =	ssyncset.done $0x0  }
0x61: {  	[sflag:s14] =	ssyncadd.s32 $0xFFFFEC00  }
0x62: {  	[tilespmem:s15], [sflag:$0x3] =	stream.linear.gather [hbm4b:s10+s25], $0x1400, $0x38;
	[tilespmem:$0x1E800] =	vst v63  }
0x63: {  	_ =	swait.ge [sflag:s14], $0x1400  }
0x64: {  	[sflag:s14] =	ssyncset.done $0x0  }
0x65: {  	[sflag:s14] =	ssyncadd.s32 $0xFFFFEC00  }
0x66: {  	[tilespmem:s17], [sflag:$0x1] =	stream.indirect.gather [hbm4b:s1+s16], $0x80, s25, s16, $0xb8;
	[tilespmem:$0x1E800] =	vst v63  }
0x67: {  	_ =	swait.ge [sflag:s18], $0x4000  }
0x68: {  	[sflag:s18] =	ssyncset.done $0x0  }
0x69: {  	s28 =	simm.s32 $0x80;
	[sflag:s18] =	ssyncadd.s32 $0xFFFFC000  }
0x6a: {  	[tilespmem:s19], [sflag:$0x2] =	stream.indirect.gather [hbm4b:s1+s16], $0x80, s28, s16, $0xb8;
	[tilespmem:$0x1E800] =	vst v63  }
0x6b: {  	s29 =	simm.s32 $0x1400  }
0x6c: {  	[spmem:s3] =	stream.indirect.scatter.add.f32 [tilespmem:s17], [sflag:$0x3], $0x80, s29, s16, $0xb8;
	[tilespmem:$0x1E800] =	vst v63  }
0x6d: {  	_ =	swait.ge [sflag:s14], $0x4000  }
0x6e: {  	[sflag:s14] =	ssyncset.done $0x0  }
0x6f: {  	[sflag:s14] =	ssyncadd.s32 $0xFFFFC000  }
0x70: {  	_ =	swait.ge [sflag:s20], $0x4000  }
0x71: {  	[sflag:s20] =	ssyncset.done $0x0  }
0x72: {  	s30 =	simm.s32 $0x100;
	[sflag:s20] =	ssyncadd.s32 $0xFFFFC000  }
0x73: {  	[tilespmem:s17], [sflag:$0x1] =	stream.indirect.gather [hbm4b:s1+s16], $0x80, s30, s16, $0xb8;
	[tilespmem:$0x1E800] =	vst v63  }
0x74: {  	s31 =	simm.s32 $0x1480  }
0x75: {  	[spmem:s3] =	stream.indirect.scatter.add.f32 [tilespmem:s19], [sflag:$0x3], $0x80, s31, s16, $0xb8;
	[tilespmem:$0x1E800] =	vst v63  }
0x76: {  	_ =	swait.ge [sflag:s14], $0x4000  }
0x77: {  	s25 =	simm.s32 $0x400;
	[sflag:s14] =	ssyncset.done $0x0  }
.LBB2_4:
0x78: {  	p0 =	sne.s32 s25, $0x4800  }
0x79: {  	[sflag:s14] =	ssyncadd.s32 $0xFFFFC000;
	s26 =	smov.u32 s25;
	s25 =	sadd.s32 $0x400, s25  }
0x7a: {  	_ = 	snop  }
0x7b: {  	_ =	swait.ge [sflag:s18], $0x4000  }
0x7c: {  	s26 =	sshra.s32 s26, $0x2;
	[sflag:s18] =	ssyncset.done $0x0  }
0x7d: {  	s28 =	sadd.s32 $0x80, s26;
	[sflag:s18] =	ssyncadd.s32 $0xFFFFC000  }
0x7e: {  	[tilespmem:s19], [sflag:$0x2] =	stream.indirect.gather [hbm4b:s1+s16], $0x80, s28, s16, $0xb8;
	[tilespmem:$0x1E800] =	vst v63  }
0x7f: {  	s28 =	sadd.s32 $0x1400, s26  }
0x80: {  	[spmem:s3] =	stream.indirect.scatter.add.f32 [tilespmem:s17], [sflag:$0x3], $0x80, s28, s16, $0xb8;
	[tilespmem:$0x1E800] =	vst v63  }
0x81: {  	_ =	swait.ge [sflag:s14], $0x4000  }
0x82: {  	[sflag:s14] =	ssyncset.done $0x0  }
0x83: {  	[sflag:s14] =	ssyncadd.s32 $0xFFFFC000  }
0x84: {  	_ =	swait.ge [sflag:s20], $0x4000  }
0x85: {  	[sflag:s20] =	ssyncset.done $0x0  }
0x86: {  	s28 =	sadd.s32 $0x100, s26;
	[sflag:s20] =	ssyncadd.s32 $0xFFFFC000  }
0x87: {  	[tilespmem:s17], [sflag:$0x1] =	stream.indirect.gather [hbm4b:s1+s16], $0x80, s28, s16, $0xb8;
	[tilespmem:$0x1E800] =	vst v63  }
.Ltmp1:
0x88: {  	_ = 	snop;
	(pc) =	sbr.rel @p0 .LBB2_4-.Ltmp1, $4  }
0x89: {  	s26 =	sadd.s32 $0x1480, s26  }
0x8a: {  	[spmem:s3] =	stream.indirect.scatter.add.f32 [tilespmem:s19], [sflag:$0x3], $0x80, s26, s16, $0xb8;
	[tilespmem:$0x1E800] =	vst v63  }
0x8b: {  	_ =	swait.ge [sflag:s14], $0x4000  }
0x8c: {  	[sflag:s14] =	ssyncset.done $0x0  }
0x8d: {  	[sflag:s14] =	ssyncadd.s32 $0xFFFFC000  }
0x8e: {  	_ =	swait.ge [sflag:s18], $0x4000  }
0x8f: {  	[sflag:s18] =	ssyncset.done $0x0  }
0x90: {  	[sflag:s18] =	ssyncadd.s32 $0xFFFFC000  }
0x91: {  	[tilespmem:s19], [sflag:$0x2] =	stream.indirect.gather [hbm4b:s1+s16], $0x80, s21, s16, $0xb8;
	[tilespmem:$0x1E800] =	vst v63  }
0x92: {  	_ = 	snop  }
0x93: {  	[spmem:s3] =	stream.indirect.scatter.add.f32 [tilespmem:s17], [sflag:$0x3], $0x80, s22, s16, $0xb8;
	[tilespmem:$0x1E800] =	vst v63  }
0x94: {  	_ =	swait.ge [sflag:s14], $0x4000  }
0x95: {  	[sflag:s14] =	ssyncset.done $0x0  }
0x96: {  	[sflag:s14] =	ssyncadd.s32 $0xFFFFC000  }
0x97: {  	_ =	swait.ge [sflag:s20], $0x4000  }
0x98: {  	[sflag:s20] =	ssyncset.done $0x0  }
0x99: {  	[sflag:s20] =	ssyncadd.s32 $0xFFFFC000  }
0x9a: {  	[tilespmem:s17], [sflag:$0x1] =	stream.indirect.gather [hbm4b:s1+s16], $0x80, s21, s16, $0xb8;
	[tilespmem:$0x1E800] =	vst v63  }
0x9b: {  	_ = 	snop  }
0x9c: {  	[spmem:s3] =	stream.indirect.scatter.add.f32 [tilespmem:s19], [sflag:$0x3], $0x80, s23, s16, $0xb8;
	[tilespmem:$0x1E800] =	vst v63  }
0x9d: {  	_ =	swait.ge [sflag:s14], $0x4000  }
0x9e: {  	[sflag:s14] =	ssyncset.done $0x0  }
0x9f: {  	[sflag:s14] =	ssyncadd.s32 $0xFFFFC000  }
0xa0: {  	_ =	swait.ge [sflag:s18], $0x4000  }
0xa1: {  	s24 =	sadd.s32 $0x1, s24;
	[sflag:s18] =	ssyncset.done $0x0  }
0xa2: {  	p0 =	sne.s32 s24, s12;
	[sflag:s18] =	ssyncadd.s32 $0xFFFFC000  }
.Ltmp2:
0xa3: {  	[bflag:$0x0] =	sbarrier.arrive $0xFFFF;
	(pc) =	sbr.rel @p0 .LBB2_1-.Ltmp2, $4  }
0xa4: {  	[hbm:s11], [sflag:s6] =	dma.local [spmem:s13], $0x2800  }
0xa5: {  	_ =	swait.ge [sflag:s14], $0x2800  }
0xa6: {  	[sflag:s14] =	ssyncset.done $0x0  }
0xa7: {  	[sflag:s14] =	ssyncadd.s32 $0xFFFFD800  }
0xa8: {  	_ =	sfence.sel $0x180000  }
0xa9: {  	[bflag:$0x0] =	sbarrier.arrive $0xFFFF  }
0xaa: {  	p0 =	sne.s32 s2, $0x0;
	_ =	strace $0x90000047  }
0xab: {  	s0 =	sadd.s32 @!p0 $0x100000, s0;
	[bflag:$0x2] =	sbarrier.arrive $0xFFFF  }
0xac: {  	[sflag:s0] =	ssyncadd.tile.s32 @!p0 $0x1;
	_ =	shalt  }
.Lfunc_end2:
_tile_overlayer_lowered:
.L_overlay_start_2:
0xad: {  	(tag) =	ssettag $0x2  }
0xae: {  	s0 =	rddreg [dreg:$0x0];
	s2 =	stileid.u32  }
0xaf: {  	s1 =	rddreg [dreg:$0x1];
	p0 =	sne.s32 s2, $0x0  }
0xb0: {  	s3 =	rddreg [dreg:$0x2];
	[bflag:$0x3] =	sbarrier.arrive $0xFFFF;
	s2 =	simm.s32 @!p0 $0x1C03  }
0xb1: {  	[timem:s3], [sflag:s2] =	dma.local @!p0 [hbm:s0], s1  }
0xb2: {  	s0 =	simm.s32 @!p0 $0x3  }
0xb3: {  	_ =	swait.ge @!p0 [sflag:s0], s1  }
0xb4: {  	s1 =	ssub.s32 @!p0 $0x0, s1;
	[sflag:s0] =	ssyncset.done @!p0 $0x0  }
0xb5: {  	[sflag:s0] =	ssyncadd.s32 @!p0 s1  }
0xb6: {  	[bflag:$0x3] =	sbarrier.arrive $0xFFFF  }
0xb7: {  	_ =	shalt  }

// kernel: kernel.9.cloned.1.call-start
scs
__scs_entry_jumppad:
0x0: {  	(pc) =	sbr.rel $0x88, $3  }
0x1: {  	(tag) =	ssettag $0x0;
	lr =	simm.s32 $0x1  }
0x2: {  	[smem:$0x3F92] =	sst lr;
	_ =	strace $0xD0000000  }
0x3: {  	_ = 	snop  }
0x4: {  	_ = 	snop  }
0x5: {  	_ = 	snop  }
0x6: {  	_ = 	snop  }
0x7: {  	_ = 	snop  }
__scs_overlays_trampoline_lowered:
0x8: {  	[smem:$0x3FA1] =	sst s0  }
0x9: {  	[smem:$0x3FA2] =	sst s1  }
0xa: {  	[smem:$0x3FA3] =	sst s2  }
0xb: {  	[smem:$0x3FA4] =	sst s3  }
0xc: {  	[smem:$0x3FA5] =	sst s4  }
0xd: {  	[smem:$0x3FA6] =	sst s5  }
0xe: {  	[smem:$0x3FA7] =	sst s6  }
0xf: {  	[smem:$0x3FA8] =	sst s7  }
0x10: {  	[smem:$0x3FA9] =	sst s8  }
0x11: {  	[smem:$0x3FAA] =	sst s9;
	s0 =	simm.s32 @!p0 $0x0  }
0x12: {  	s1 =	sld [smem:$0x3F90];
	s0 =	simm.s32 @p0 $0x1  }
0x13: {  	[smem:$0x3FAB] =	sst s0;
	s0 =	simm.s32 @!p1 $0x0  }
0x14: {  	s2 =	sld [smem:$0x3F8F];
	s0 =	simm.s32 @p1 $0x1  }
0x15: {  	[smem:$0x3FAC] =	sst s0;
	s0 =	simm.s32 @!p2 $0x0  }
0x16: {  	s3 =	sld [smem:$0x3FDB];
	s0 =	simm.s32 @p2 $0x1  }
0x17: {  	s4 =	simm.s32 $0x1BF5;
	[smem:$0x3FAE] =	sst s0  }
0x18: {  	s0 =	sld [smem:$0x3F91];
	_ =	swait.ge [sflag:s4], $0x0  }
0x19: {  	s7 =	sld [smem:$0x3F92]  }
0x1a: {  	s8 =	sadd.s32 $0xFFFFE003, lr  }
0x1b: {  	s9 =	sadd.s32 $0xFFFFFEF7, lr;
	s5 =	simm.s32 $0xFFFFFFFF;
	p2 =	slt.u32 s8, $0xFFFFF086  }
0x1c: {  	p1 =	slt.u32 s9, $0xF7A;
	s5 =	simm.s32 @!p2 $0x0  }
0x1d: {  	s5 =	simm.s32 @p1 $0x1;
	p0 =	seq.s32 s7, s2  }
0x1e: {  	s7 =	smul.u32 @!p0 $0xF7A, s2;
	p2 =	seq.s32 @!p0 s5, $0x0  }
0x1f: {  	s9 =	smul.u32 $0xF7A, s1;
	s8 =	simm.s32 @!p0 $0x1BF5;
	p2 =	por !p2, p0  }
0x20: {  	[sflag:s8] =	ssyncset.s32 @!p0 $0xFFFFF086;
	s6 =	sadd.s32 @!p0 s3, s7;
	s7 =	simm.s32 @!p0 $0x108  }
0x21: {  	s3 =	sadd.s32 s3, s9;
	s6 =	sadd.s32 @!p0 $0x88, s6;
	s7 =	simm.s32 @p2 $0x1082  }
0x22: {  	[simem:s7], [sflag:s8] =	dma.local @!p0 [hbm:s6], $0xF7A  }
0x23: {  	s9 =	sor.u32 $0xD0000000, s2;
	s6 =	simm.s32 $0x108;
	_ =	swait.ge @!p0 [sflag:s8], $0x0  }
0x24: {  	s3 =	sadd.s32 $0x88, s3;
	s6 =	simm.s32 @!p1 $0x1082;
	[sflag:s4] =	ssyncset.s32 $0xFFFFF086  }
0x25: {  	[simem:s6], [sflag:s4] =	dma.local [hbm:s3], $0xF7A  }
0x26: {  	[smem:$0x3F92] =	sst s1;
	(tag) =	ssettag s2;
	_ =	strace s9  }
0x27: {  	s1 =	sld [smem:$0x3FA2]  }
0x28: {  	s2 =	sld [smem:$0x3FA3]  }
0x29: {  	s4 =	sld [smem:$0x3FA5]  }
0x2a: {  	p0 =	seq.s32 s5, $0x0;
	s5 =	sld [smem:$0x3FA6]  }
0x2b: {  	s6 =	sld [smem:$0x3FA7]  }
0x2c: {  	s7 =	sld [smem:$0x3FA8]  }
0x2d: {  	s3 =	simm.s32 $0x108;
	s8 =	sld [smem:$0x3FA9]  }
0x2e: {  	s3 =	simm.s32 @!p0 $0x1082;
	s9 =	sld [smem:$0x3FAA]  }
0x2f: {  	lr =	sadd.s32 s0, s3;
	s0 =	sld [smem:$0x3FA1]  }
0x30: {  	s3 =	sld [smem:$0x3FA4]  }
0x31: {  	[smem:$0x3FAD] =	sst s10  }
0x32: {  	s10 =	sld [smem:$0x3FAB];
	_ =	sdelay $0x3  }
0x33: {  	p0 =	seq.s32 s10, $0x1;
	s10 =	sld [smem:$0x3FAD];
	_ =	sdelay $0x3  }
0x34: {  	[smem:$0x3FAD] =	sst s10  }
0x35: {  	s10 =	sld [smem:$0x3FAC];
	_ =	sdelay $0x3  }
0x36: {  	p1 =	seq.s32 s10, $0x1;
	s10 =	sld [smem:$0x3FAD];
	_ =	sdelay $0x3  }
0x37: {  	[smem:$0x3FAD] =	sst s10  }
0x38: {  	s10 =	sld [smem:$0x3FAE]  }
0x39: {  	_ = 	snop;
	(pc) =	sbr.ind lr, $3  }
0x3a: {  	_ = 	snop  }
0x3b: {  	_ = 	snop  }
0x3c: {  	p2 =	seq.s32 s10, $0x1;
	s10 =	sld [smem:$0x3FAD]  }
0x3d: {  	_ =	shalt  }
0x3e: {  	_ =	shalt  }
0x3f: {  	_ =	shalt  }
0x40: {  	_ =	shalt  }
0x41: {  	_ =	shalt  }
0x42: {  	_ =	shalt  }
0x43: {  	_ =	shalt  }
0x44: {  	_ =	shalt  }
0x45: {  	_ =	shalt  }
0x46: {  	_ =	shalt  }
0x47: {  	_ =	shalt  }
0x48: {  	_ =	shalt  }
0x49: {  	_ =	shalt  }
0x4a: {  	_ =	shalt  }
0x4b: {  	_ =	shalt  }
0x4c: {  	_ =	shalt  }
0x4d: {  	_ =	shalt  }
0x4e: {  	_ =	shalt  }
0x4f: {  	_ =	shalt  }
0x50: {  	_ =	shalt  }
0x51: {  	_ =	shalt  }
0x52: {  	_ =	shalt  }
0x53: {  	_ =	shalt  }
0x54: {  	_ =	shalt  }
0x55: {  	_ =	shalt  }
0x56: {  	_ =	shalt  }
0x57: {  	_ =	shalt  }
0x58: {  	_ =	shalt  }
0x59: {  	_ =	shalt  }
0x5a: {  	_ =	shalt  }
0x5b: {  	_ =	shalt  }
0x5c: {  	_ =	shalt  }
0x5d: {  	_ =	shalt  }
0x5e: {  	_ =	shalt  }
0x5f: {  	_ =	shalt  }
0x60: {  	_ =	shalt  }
0x61: {  	_ =	shalt  }
0x62: {  	_ =	shalt  }
0x63: {  	_ =	shalt  }
0x64: {  	_ =	shalt  }
0x65: {  	_ =	shalt  }
0x66: {  	_ =	shalt  }
0x67: {  	_ =	shalt  }
0x68: {  	_ =	shalt  }
0x69: {  	_ =	shalt  }
0x6a: {  	_ =	shalt  }
0x6b: {  	_ =	shalt  }
0x6c: {  	_ =	shalt  }
0x6d: {  	_ =	shalt  }
0x6e: {  	_ =	shalt  }
0x6f: {  	_ =	shalt  }
0x70: {  	_ =	shalt  }
0x71: {  	_ =	shalt  }
0x72: {  	_ =	shalt  }
0x73: {  	_ =	shalt  }
0x74: {  	_ =	shalt  }
0x75: {  	_ =	shalt  }
0x76: {  	_ =	shalt  }
0x77: {  	_ =	shalt  }
0x78: {  	_ =	shalt  }
0x79: {  	_ =	shalt  }
0x7a: {  	_ =	shalt  }
0x7b: {  	_ =	shalt  }
0x7c: {  	_ =	shalt  }
0x7d: {  	_ =	shalt  }
0x7e: {  	_ =	shalt  }
0x7f: {  	_ =	shalt  }
0x80: {  	_ =	shalt  }
0x81: {  	_ =	shalt  }
0x82: {  	_ =	shalt  }
0x83: {  	_ =	shalt  }
0x84: {  	_ =	shalt  }
0x85: {  	_ =	shalt  }
0x86: {  	_ =	shalt  }
0x87: {  	_ =	shalt  }
.Lfunc_end0:
.L_simem_size_0:
called_computation.1_lowered:
.L_overlay_start_0:
0x88: {  	s2 =	sld [smem:$0x3FD9]  }
0x89: {  	s3 =	sld [smem:$0x3FFE];
	_ =	sdelay $0x1  }
0x8a: {  	s1 =	srdreg.scid  }
0x8b: {  	s0 =	sand.u32 $0x1, s1  }
0x8c: {  	s16 =	sshll.u32 s0, $0xA;
	s2 =	sadd.s32 s3, s2  }
0x8d: {  	s2 =	sadd.s32 s2, s16  }
0x8e: {  	[smem:$0x3FB9] =	sst s2  }
0x8f: {  	_ = 	snop  }
0x90: {  	(tm) =	ssettm $0x1  }
0x91: {  	s17 =	sld [smem:$0x3FFB];
	_ =	sdelay $0x3  }
0x92: {  	_ =	strace s17  }
0x93: {  	s2 =	sld [smem:$0x3FFC];
	_ =	sdelay $0x3  }
0x94: {  	_ =	strace s2  }
0x95: {  	s2 =	sld [smem:$0x3FFD];
	_ =	sdelay $0x3  }
0x96: {  	_ =	strace s2  }
0x97: {  	_ =	strace $0x8FFFFFFF  }
0x98: {  	s18 =	sld [smem:$0x3FDB];
	_ =	sdelay $0x1  }
0x99: {  	s19 =	simm.s32 $_scs_section_size  }
0x9a: {  	s4 =	simm.s32 $_size__tile_overlayer_lowered;
	s5 =	simm.s32 $_tile_overlayer_lowered  }
0x9b: {  	s22 =	simm.s32 $0x1BFF;
	s21 =	sshll.u32 s5, $0x1;
	s2 =	sadd.s32 s19, s18  }
0x9c: {  	s6 =	simm.s32 $0x0;
	s20 =	sshll.u32 s4, $0x1;
	s4 =	sadd.s32 s21, s2  }
0x9d: {  	[timem:s6], [sflag:s22] =	dma.local [hbm:s4], s20  }
0x9e: {  	_ =	swait.ge [sflag:s22], s20  }
0x9f: {  	s3 =	ssub.s32 $0x0, s20;
	[sflag:s22] =	ssyncset.done $0x0  }
0xa0: {  	[sflag:s22] =	ssyncadd.s32 s3;
	_ =	sdelay $0x1  }
0xa1: {  	s23 =	simm.s32 $0x1B8B  }
0xa2: {  	_ =	swait.ge [sflag:s23], $0x1  }
0xa3: {  	[sflag:s23] =	ssyncset.done $0x0  }
0xa4: {  	s25 =	simm.s32 $0x1B8E;
	s24 =	sld [smem:$0x3FFE];
	[sflag:s23] =	ssyncadd.s32 $0xFFFFFFFF  }
0xa5: {  	s26 =	simm.s32 $execute0_lowered;
	[smem:$0x3FD2] =	sst s25  }
0xa6: {  	s4 =	sshll.u32 s26, $0x1;
	_ =	strace $0x80000049;
	[dreg:$0x1] =	wrdreg $0xFFFFFFFF  }
0xa7: {  	s28 =	simm.s32 $_size_execute0_lowered;
	s2 =	sadd.s32 s2, s4;
	[dreg:$0x0] =	wrdreg $0x0  }
0xa8: {  	s4 =	sshll.u32 s28, $0x1;
	[dreg:$0x2] =	wrdreg s2  }
0xa9: {  	[dreg:$0x3] =	wrdreg s4  }
0xaa: {  	[dreg:$0x4] =	wrdreg $0xC0  }
0xab: {  	_ =	task [dreg:s6], $0x5FFFF  }
0xac: {  	[dreg:$0x1] =	wrdreg $0xFFFFFFFF  }
0xad: {  	[dreg:$0x0] =	wrdreg $0x60  }
0xae: {  	[dreg:$0x2] =	wrdreg s24  }
0xaf: {  	[dreg:$0x3] =	wrdreg $0x90000  }
0xb0: {  	[dreg:$0x4] =	wrdreg $0x9  }
0xb1: {  	_ =	task.clear_ibuf [dreg:s6], $0x5FFFF;
	_ =	strace $0x90000049  }
0xb2: {  	s29 =	simm.s32 $0x9;
	_ =	strace $0x8000004B  }
0xb3: {  	_ =	swait.ge [sflag:s29], $0x1  }
0xb4: {  	[sflag:s29] =	ssyncadd.s32 $0xFFFFFFFF  }
0xb5: {  	_ =	strace $0x9000004B  }
0xb6: {  	_ =	sfence  }
0xb7: {  	s30 =	sld [smem:$0x0];
	_ =	sdelay $0x2  }
0xb8: {  	s31 =	sshll.u32 s1, $0xD;
	s1 =	sshrl.u32 s1, $0x2  }
0xb9: {  	s3 =	sand.u32 $0x4000, s31;
	s1 =	sadd.s32 s1, s30  }
0xba: {  	s0 =	sor.u32 s3, s0;
	s1 =	sshll.u32 s1, $0x11  }
0xbb: {  	s0 =	sor.u32 s1, s0  }
0xbc: {  	s0 =	sadd.s32 $0x8F2B, s0  }
0xbd: {  	[sflag:s0] =	ssyncadd.remote.s32 $0x1  }
0xbe: {  	_ =	sfence.sel $0xFFFF  }
0xbf: {  	[dreg:$0x0] =	wrdreg $0xFFFFFFFF;
	(pc) =	sbr.abs _section_cstart, $3  }
0xc0: {  	[dreg:$0x1] =	wrdreg $0xFFFFFFFF  }
0xc1: {  	_ =	task.clear_ibuf [dreg:s6], $0x2FFFF;
	_ =	strace $0x9FFFFFFF  }
0xc2: {  	(tm) =	ssettm $0x7FFFFFFF  }
0xc3: {  	_ =	shalt  }
tec
execute0_lowered:
.L_overlay_start_1:
0x0: {  	(tag) =	ssettag $0x1  }
0x1: {  	s1 =	srdreg.scid;
	s6 =	rddreg [dreg:$0x0]  }
0x2: {  	s0 =	stileid.u32;
	s2 =	rddreg [dreg:$0x1];
	s3 =	simm.s32 $0x0  }
0x3: {  	s14 =	simm.s32 $0x80;
	s15 =	simm.s32 $0x5000;
	s16 =	simm.s32 $0x1  }
0x4: {  	s17 =	simm.s32 $0x7000;
	s18 =	simm.s32 $0x2;
	s19 =	simm.s32 $0x2780  }
0x5: {  	s20 =	simm.s32 $0x4F00;
	s21 =	simm.s32 $0x4F80;
	s22 =	simm.s32 $0x0  }
0x6: {  	s5 =	sand.u32 $0x1, s1;
	s26 =	sshll.u32 s0, $0x1;
	s8 =	smul.u32 $0xA000, s0  }
0x7: {  	[smem:$0x7FF] =	sst s3;
	s4 =	sadd.s32 $0x16600, s6;
	s31 =	sshll.u32 s0, $0x6  }
0x8: {  	s1 =	sor.u32 s5, s26;
	s9 =	smul.u32 $0xA0000, s5;
	s5 =	ssub.s32 $0x2, s5  }
0x9: {  	s7 =	smul.u32 $0x500, s1;
	s1 =	rddreg [dreg:$0x2];
	_ =	strace $0x8000004A  }
0xa: {  	s29 =	sshrl.u32 s8, $0x3;
	s30 =	sshrl.u32 s5, $0x1;
	s13 =	sadd.s32 s8, s2  }
0xb: {  	s28 =	sadd.s32 s8, s9;
	s9 =	sadd.s32 s29, s6;
	s12 =	ssub.s32 s5, s30  }
0xc: {  	s10 =	sadd.s32 s7, s6;
	s7 =	sshrl.u32 s28, $0x3;
	s5 =	sadd.s32 $0x2A000, s9  }
0xd: {  	s11 =	sadd.s32 s7, s6;
	s6 =	sor.u32 $0x1C03, s31;
	s7 =	sadd.s32 $0x2600, s10  }
0xe: {  	s8 =	sadd.s32 $0xC600, s10;
	s10 =	smax.u32 s12, $0x1;
	s12 =	simm.s32 $0x3  }
0xf: {  	s9 =	sadd.s32 $0x3E000, s11;
	s11 =	sshrl.u32 s13, $0x3;
	s13 =	simm.s32 $0x2800  }
.LBB2_1:
0x10: {  	[spmem:s11], [sflag:s6] =	dma.local [hbm:s5], $0x1400  }
0x11: {  	_ =	swait.ge [sflag:s12], $0x1400  }
0x12: {  	[sflag:s12] =	ssyncset.done $0x0  }
0x13: {  	[sflag:s12] =	ssyncadd.s32 $0xFFFFEC00  }
0x14: {  	[bflag:$0x0] =	sbarrier.arrive $0xFFFF  }
0x15: {  	[tilespmem:s3], [sflag:$0x3] =	stream.linear.gather [hbm4b:s7+s3], $0x2800, $0x38;
	[tilespmem:$0x13000] =	vst v63  }
0x16: {  	_ =	swait.ge [sflag:s12], $0x2800  }
0x17: {  	[sflag:s12] =	ssyncset.done $0x0  }
0x18: {  	[sflag:s12] =	ssyncadd.s32 $0xFFFFD800  }
0x19: {  	[tilespmem:s13], [sflag:$0x3] =	stream.linear.gather [hbm4b:s8+s3], $0x2800, $0x38;
	[tilespmem:$0x13000] =	vst v63  }
0x1a: {  	_ =	swait.ge [sflag:s12], $0x2800  }
0x1b: {  	[sflag:s12] =	ssyncset.done $0x0  }
0x1c: {  	[sflag:s12] =	ssyncadd.s32 $0xFFFFD800  }
0x1d: {  	[tilespmem:s15], [sflag:$0x1] =	stream.indirect.gather [hbm4b:s4+s14], $0x40, s3, s14, $0xb8;
	[tilespmem:$0x13000] =	vst v63  }
0x1e: {  	_ =	swait.ge [sflag:s16], $0x2000  }
0x1f: {  	[sflag:s16] =	ssyncset.done $0x0  }
0x20: {  	s23 =	simm.s32 $0x80;
	[sflag:s16] =	ssyncadd.s32 $0xFFFFE000  }
0x21: {  	[tilespmem:s17], [sflag:$0x2] =	stream.indirect.gather [hbm4b:s4+s14], $0x40, s23, s14, $0xb8;
	[tilespmem:$0x13000] =	vst v63  }
0x22: {  	s29 =	simm.s32 $0x2800  }
0x23: {  	[spmem:s2] =	stream.indirect.scatter.add.f32 [tilespmem:s15], [sflag:$0x3], $0x40, s29, s14, $0xb8;
	[tilespmem:$0x13000] =	vst v63  }
0x24: {  	_ =	swait.ge [sflag:s12], $0x2000  }
0x25: {  	[sflag:s12] =	ssyncset.done $0x0  }
0x26: {  	[sflag:s12] =	ssyncadd.s32 $0xFFFFE000  }
0x27: {  	_ =	swait.ge [sflag:s18], $0x2000  }
0x28: {  	[sflag:s18] =	ssyncset.done $0x0  }
0x29: {  	s30 =	simm.s32 $0x100;
	[sflag:s18] =	ssyncadd.s32 $0xFFFFE000  }
0x2a: {  	[tilespmem:s15], [sflag:$0x1] =	stream.indirect.gather [hbm4b:s4+s14], $0x40, s30, s14, $0xb8;
	[tilespmem:$0x13000] =	vst v63  }
0x2b: {  	s31 =	simm.s32 $0x2880  }
0x2c: {  	[spmem:s2] =	stream.indirect.scatter.add.f32 [tilespmem:s17], [sflag:$0x3], $0x40, s31, s14, $0xb8;
	[tilespmem:$0x13000] =	vst v63  }
0x2d: {  	_ =	swait.ge [sflag:s12], $0x2000  }
0x2e: {  	s23 =	simm.s32 $0x400;
	[sflag:s12] =	ssyncset.done $0x0  }
.LBB2_2:
0x2f: {  	p0 =	sne.s32 s23, $0x9800  }
0x30: {  	[sflag:s12] =	ssyncadd.s32 $0xFFFFE000;
	s24 =	smov.u32 s23;
	s23 =	sadd.s32 $0x400, s23  }
0x31: {  	_ = 	snop  }
0x32: {  	_ =	swait.ge [sflag:s16], $0x2000  }
0x33: {  	s24 =	sshra.s32 s24, $0x2;
	[sflag:s16] =	ssyncset.done $0x0  }
0x34: {  	s25 =	sadd.s32 $0x80, s24;
	[sflag:s16] =	ssyncadd.s32 $0xFFFFE000  }
0x35: {  	[tilespmem:s17], [sflag:$0x2] =	stream.indirect.gather [hbm4b:s4+s14], $0x40, s25, s14, $0xb8;
	[tilespmem:$0x13000] =	vst v63  }
0x36: {  	s25 =	sadd.s32 $0x2800, s24  }
0x37: {  	[spmem:s2] =	stream.indirect.scatter.add.f32 [tilespmem:s15], [sflag:$0x3], $0x40, s25, s14, $0xb8;
	[tilespmem:$0x13000] =	vst v63  }
0x38: {  	_ =	swait.ge [sflag:s12], $0x2000  }
0x39: {  	[sflag:s12] =	ssyncset.done $0x0  }
0x3a: {  	[sflag:s12] =	ssyncadd.s32 $0xFFFFE000  }
0x3b: {  	_ =	swait.ge [sflag:s18], $0x2000  }
0x3c: {  	[sflag:s18] =	ssyncset.done $0x0  }
0x3d: {  	s25 =	sadd.s32 $0x100, s24;
	[sflag:s18] =	ssyncadd.s32 $0xFFFFE000  }
0x3e: {  	[tilespmem:s15], [sflag:$0x1] =	stream.indirect.gather [hbm4b:s4+s14], $0x40, s25, s14, $0xb8;
	[tilespmem:$0x13000] =	vst v63  }
.Ltmp0:
0x3f: {  	_ = 	snop;
	(pc) =	sbr.rel @p0 .LBB2_2-.Ltmp0, $4  }
0x40: {  	s24 =	sadd.s32 $0x2880, s24  }
0x41: {  	[spmem:s2] =	stream.indirect.scatter.add.f32 [tilespmem:s17], [sflag:$0x3], $0x40, s24, s14, $0xb8;
	[tilespmem:$0x13000] =	vst v63  }
0x42: {  	_ =	swait.ge [sflag:s12], $0x2000  }
0x43: {  	[sflag:s12] =	ssyncset.done $0x0  }
0x44: {  	[sflag:s12] =	ssyncadd.s32 $0xFFFFE000  }
0x45: {  	_ =	swait.ge [sflag:s16], $0x2000  }
0x46: {  	[sflag:s16] =	ssyncset.done $0x0  }
0x47: {  	[sflag:s16] =	ssyncadd.s32 $0xFFFFE000  }
0x48: {  	[tilespmem:s17], [sflag:$0x2] =	stream.indirect.gather [hbm4b:s4+s14], $0x40, s19, s14, $0xb8;
	[tilespmem:$0x13000] =	vst v63  }
0x49: {  	_ = 	snop  }
0x4a: {  	[spmem:s2] =	stream.indirect.scatter.add.f32 [tilespmem:s15], [sflag:$0x3], $0x40, s20, s14, $0xb8;
	[tilespmem:$0x13000] =	vst v63  }
0x4b: {  	_ =	swait.ge [sflag:s12], $0x2000  }
0x4c: {  	[sflag:s12] =	ssyncset.done $0x0  }
0x4d: {  	[sflag:s12] =	ssyncadd.s32 $0xFFFFE000  }
0x4e: {  	_ =	swait.ge [sflag:s18], $0x2000  }
0x4f: {  	[sflag:s18] =	ssyncset.done $0x0  }
0x50: {  	[sflag:s18] =	ssyncadd.s32 $0xFFFFE000  }
0x51: {  	[tilespmem:s15], [sflag:$0x1] =	stream.indirect.gather [hbm4b:s4+s14], $0x40, s19, s14, $0xb8;
	[tilespmem:$0x13000] =	vst v63  }
0x52: {  	_ = 	snop  }
0x53: {  	[spmem:s2] =	stream.indirect.scatter.add.f32 [tilespmem:s17], [sflag:$0x3], $0x40, s21, s14, $0xb8;
	[tilespmem:$0x13000] =	vst v63  }
0x54: {  	_ =	swait.ge [sflag:s12], $0x2000  }
0x55: {  	[sflag:s12] =	ssyncset.done $0x0  }
0x56: {  	[sflag:s12] =	ssyncadd.s32 $0xFFFFE000  }
0x57: {  	_ =	swait.ge [sflag:s16], $0x2000  }
0x58: {  	s22 =	sadd.s32 $0x1, s22;
	[sflag:s16] =	ssyncset.done $0x0  }
0x59: {  	p0 =	sne.s32 s22, s10;
	[sflag:s16] =	ssyncadd.s32 $0xFFFFE000  }
.Ltmp1:
0x5a: {  	[bflag:$0x0] =	sbarrier.arrive $0xFFFF;
	(pc) =	sbr.rel @p0 .LBB2_1-.Ltmp1, $4  }
0x5b: {  	[hbm:s9], [sflag:s6] =	dma.local [spmem:s11], $0x1400  }
0x5c: {  	_ =	swait.ge [sflag:s12], $0x1400  }
0x5d: {  	[sflag:s12] =	ssyncset.done $0x0  }
0x5e: {  	[sflag:s12] =	ssyncadd.s32 $0xFFFFEC00  }
0x5f: {  	_ =	sfence.sel $0x180000  }
0x60: {  	[bflag:$0x0] =	sbarrier.arrive $0xFFFF  }
0x61: {  	p0 =	sne.s32 s0, $0x0;
	_ =	strace $0x9000004A  }
0x62: {  	s0 =	sadd.s32 @!p0 $0x100000, s1;
	[bflag:$0x2] =	sbarrier.arrive $0xFFFF  }
0x63: {  	[sflag:s0] =	ssyncadd.tile.s32 @!p0 $0x1;
	_ =	shalt  }
.Lfunc_end2:
_tile_overlayer_lowered:
.L_overlay_start_2:
0x64: {  	(tag) =	ssettag $0x2  }
0x65: {  	s0 =	rddreg [dreg:$0x0];
	s2 =	stileid.u32  }
0x66: {  	s1 =	rddreg [dreg:$0x1];
	p0 =	sne.s32 s2, $0x0  }
0x67: {  	s3 =	rddreg [dreg:$0x2];
	[bflag:$0x3] =	sbarrier.arrive $0xFFFF;
	s2 =	simm.s32 @!p0 $0x1C03  }
0x68: {  	[timem:s3], [sflag:s2] =	dma.local @!p0 [hbm:s0], s1  }
0x69: {  	s0 =	simm.s32 @!p0 $0x3  }
0x6a: {  	_ =	swait.ge @!p0 [sflag:s0], s1  }
0x6b: {  	s1 =	ssub.s32 @!p0 $0x0, s1;
	[sflag:s0] =	ssyncset.done @!p0 $0x0  }
0x6c: {  	[sflag:s0] =	ssyncadd.s32 @!p0 s1  }
0x6d: {  	[bflag:$0x3] =	sbarrier.arrive $0xFFFF  }
0x6e: {  	_ =	shalt  }

</sc_bundles>
